<compile_context>
chip_gen: v7x
topology: tpu7x:2x2x1
jax: 0.10.2.dev20260603
libtpu: 0.0.44.dev20260713+nightly
codegen_flags: <defaults>
</compile_context>

<pallas_src>
import functools

import jax
import jax.numpy as jnp
from jax import lax
from jax.experimental import pallas as pl
from jax.experimental.pallas import tpu as pltpu
from jax.experimental.pallas import tpu_sc as plsc

N_NODES = 10000
D = 128
E = 320000
SLOPE = 0.01

NC = 2
NS = 16
NW = NC * NS
K = 128
CH = 79
TOT_CH = NW * CH
E_PAD = TOT_CH * K
NP = 10240
ROWS_PER_TILE = NP // NS
DUMMY_DST = N_NODES


def _leaky(v):
    return jnp.where(v >= 0, v, SLOPE * v)



@functools.cache
def _sc_kernels():
    mesh = plsc.VectorSubcoreMesh(
        core_axis_name="c", subcore_axis_name="s",
        num_cores=NC, num_subcores=NS)

    @functools.partial(
        pl.kernel,
        out_type=jax.ShapeDtypeStruct((NC, NP, D), jnp.float32),
        mesh=mesh,
        scratch_types=[
            pltpu.VMEM((CH, K), jnp.int32),
            pltpu.VMEM((CH, K), jnp.int32),
            pltpu.VMEM((K, D), jnp.float32),
            pltpu.VMEM_SHARED((NP, D), jnp.float32),
            pltpu.SemaphoreType.DMA,
        ],
    )
    def sc_aggregate(h_hbm, src_hbm, dst_hbm, out_hbm,
                     src_v, dst_v, rows, agg_sh, sem):
        c = lax.axis_index("c")
        s = lax.axis_index("s")
        w = c * NS + s

        zeros16 = jnp.zeros((16,), jnp.float32)

        def _zrow(i, _):
            for kk in range(D // 16):
                rows[i, pl.ds(kk * 16, 16)] = zeros16
            return 0
        lax.fori_loop(0, K, _zrow, 0)
        for t in range(ROWS_PER_TILE // K):
            pltpu.sync_copy(rows,
                            agg_sh.at[pl.ds(s * ROWS_PER_TILE + t * K, K)])
        plsc.subcore_barrier()

        pltpu.sync_copy(src_hbm.at[w], src_v)
        pltpu.sync_copy(dst_hbm.at[w], dst_v)

        def _chunk(j, _):
            pltpu.async_copy(h_hbm.at[src_v.at[j]], rows, sem).wait()
            pltpu.sync_copy(rows, agg_sh.at[dst_v.at[j]], add=True)
            return 0

        lax.fori_loop(0, CH, _chunk, 0)
        plsc.subcore_barrier()

        pltpu.sync_copy(agg_sh.at[pl.ds(s * ROWS_PER_TILE, ROWS_PER_TILE)],
                        out_hbm.at[c, pl.ds(s * ROWS_PER_TILE, ROWS_PER_TILE)])

    @functools.partial(
        pl.kernel,
        out_type=jax.ShapeDtypeStruct((NC, NP), jnp.float32),
        mesh=mesh,
        scratch_types=[
            pltpu.VMEM((CH, K), jnp.int32),
            pltpu.VMEM((K,), jnp.float32),
            pltpu.VMEM_SHARED((NP,), jnp.float32),
        ],
    )
    def sc_degree(dst_hbm, out_hbm, dst_v, ones_v, deg_sh):
        c = lax.axis_index("c")
        s = lax.axis_index("s")
        w = c * NS + s

        pltpu.sync_copy(dst_hbm.at[w], dst_v)
        zero16 = jnp.zeros((16,), jnp.float32)
        one16 = jnp.full((16,), 1.0, jnp.float32)

        for kk in range(K // 16):
            ones_v[pl.ds(kk * 16, 16)] = zero16
        for t in range(ROWS_PER_TILE // K):
            pltpu.sync_copy(ones_v,
                            deg_sh.at[pl.ds(s * ROWS_PER_TILE + t * K, K)])
        for kk in range(K // 16):
            ones_v[pl.ds(kk * 16, 16)] = one16
        plsc.subcore_barrier()

        def _chunk(j, _):
            pltpu.sync_copy(ones_v, deg_sh.at[dst_v.at[j]], add=True)
            return 0
        lax.fori_loop(0, CH, _chunk, 0)
        plsc.subcore_barrier()

        pltpu.sync_copy(deg_sh.at[pl.ds(s * ROWS_PER_TILE, ROWS_PER_TILE)],
                        out_hbm.at[c, pl.ds(s * ROWS_PER_TILE, ROWS_PER_TILE)])

    return sc_aggregate, sc_degree



_RB = 1024
_GRID = NP // _RB


def _fc1_body(x_ref, w_ref, b_ref, o_ref):
    o_ref[...] = _leaky(
        jnp.dot(x_ref[...], w_ref[...], preferred_element_type=jnp.float32)
        + b_ref[...])


def _tc_fc1(x, W1, b1):
    return pl.pallas_call(
        _fc1_body,
        grid=(_GRID,),
        in_specs=[
            pl.BlockSpec((_RB, D), lambda i: (i, 0)),
            pl.BlockSpec((D, D), lambda i: (0, 0)),
            pl.BlockSpec((1, D), lambda i: (0, 0)),
        ],
        out_specs=pl.BlockSpec((_RB, D), lambda i: (i, 0)),
        out_shape=jax.ShapeDtypeStruct((NP, D), jnp.float32),
    )(x, W1, b1)


def _combine_body(a_ref, deg_ref, h_ref, w_ref, b_ref, o_ref):
    agg = a_ref[0] + a_ref[1]
    deg = deg_ref[0] + deg_ref[1]
    deg = deg.reshape(_RB, 1)
    agg = jnp.where(deg > 0, agg / jnp.maximum(deg, 1.0), 0.0)
    o_ref[...] = _leaky(
        jnp.dot(agg, w_ref[...], preferred_element_type=jnp.float32)
        + b_ref[...] + h_ref[...])


def _tc_combine(aggpair, degpair, h, W2, b2):
    return pl.pallas_call(
        _combine_body,
        grid=(_GRID,),
        in_specs=[
            pl.BlockSpec((NC, _RB, D), lambda i: (0, i, 0)),
            pl.BlockSpec((NC, _RB), lambda i: (0, i)),
            pl.BlockSpec((_RB, D), lambda i: (i, 0)),
            pl.BlockSpec((D, D), lambda i: (0, 0)),
            pl.BlockSpec((1, D), lambda i: (0, 0)),
        ],
        out_specs=pl.BlockSpec((_RB, D), lambda i: (i, 0)),
        out_shape=jax.ShapeDtypeStruct((NP, D), jnp.float32),
    )(aggpair, degpair, h, W2, b2)



def kernel(x, edge_index, W1, b1, W2, b2, num_iterations):
    src = edge_index[0].astype(jnp.int32)
    dst = edge_index[1].astype(jnp.int32)
    pad = E_PAD - E
    src_r = jnp.concatenate([src, jnp.zeros((pad,), jnp.int32)]
                            ).reshape(NW, CH, K)
    dst_r = jnp.concatenate([dst, jnp.full((pad,), DUMMY_DST, jnp.int32)]
                            ).reshape(NW, CH, K)

    x_pad = jnp.zeros((NP, D), jnp.float32).at[:N_NODES].set(x)
    b1_2d = b1.reshape(1, D)
    b2_2d = b2.reshape(1, D)

    sc_aggregate, sc_degree = _sc_kernels()
    degpair = sc_degree(dst_r)
    h = _tc_fc1(x_pad, W1, b1_2d)

    def _body(_, h):
        aggpair = sc_aggregate(h, src_r, dst_r)
        return _tc_combine(aggpair, degpair, h, W2, b2_2d)

    h = lax.fori_loop(0, num_iterations, _body, h)
    return h[:N_NODES]

# --- scband reference (transcript-rebuilt; emitter-appended) ---
"""Pipeline reference for scband-structure2-vec-45191645888914 (READ-ONLY COPY).

The authoritative reference and input builder live on the scoring server;
editing this copy changes nothing except your own understanding.
"""

import jax, jax.numpy as jnp
import numpy as np

N_NODES = 10000
N_EDGES = 320000
FEATURE_DIM = 128
HIDDEN_DIM = 128
SLOPE = 0.01


def setup_inputs(seed: int = 0) -> dict:
    key = jax.random.key(seed)
    k1, k2, k3, k4, k5, k6 = jax.random.split(key, 6)
    x = jax.random.normal(k1, (N_NODES, FEATURE_DIM), dtype=jnp.float32)
    edge_index = jax.random.randint(k2, (2, N_EDGES), 0, N_NODES, dtype=jnp.int64)
    W1 = jax.random.normal(k3, (FEATURE_DIM, HIDDEN_DIM), dtype=jnp.float32) * 0.02
    b1 = jnp.zeros((HIDDEN_DIM,), dtype=jnp.float32)
    W2 = jax.random.normal(k4, (HIDDEN_DIM, HIDDEN_DIM), dtype=jnp.float32) * 0.02
    b2 = jnp.zeros((HIDDEN_DIM,), dtype=jnp.float32)
    return {"x": x, "edge_index": edge_index, "W1": W1, "b1": b1, "W2": W2, "b2": b2, "num_iterations": 3}


def _leaky_relu(v):
    return jnp.where(v >= 0, v, SLOPE * v)


def reference(x, edge_index, W1, b1, W2, b2, num_iterations):
    # h_v = leaky_relu(fc1(x_v))
    h = _leaky_relu(x @ W1 + b1)
    src = edge_index[0]
    dst = edge_index[1]
    n = x.shape[0]
    deg = jnp.zeros((n,), dtype=x.dtype).at[dst].add(1.0)
    denom = jnp.maximum(deg, 1.0)[:, None]
    has_nbr = (deg > 0)[:, None]

    def _body(_, h):
        msgs = h[src]  # gather neighbor embeddings along edges
        agg = jnp.zeros_like(h).at[dst].add(msgs)  # scatter-add by destination
        agg = jnp.where(has_nbr, agg / denom, 0.0)  # mean over neighbors, zeros if isolated
        return _leaky_relu(agg @ W2 + b2 + h)

    h = jax.lax.fori_loop(0, num_iterations, _body, h)
    return h

if __name__ == "__main__":
    import jax
    _d = setup_inputs()
    print(jax.jit(kernel)(*tuple(_d.values())))

</pallas_src>

<mosaic_0001>
#map = affine_map<(d0, d1) -> (0, 0, 0)>
#map1 = affine_map<(d0, d1) -> (0, 0)>
module attributes {stable_mosaic.version = 14 : i64} {
  func.func @sc_degree(%arg0: i32, %arg1: i32, %arg2: memref<32x79x128xi32, #tpu.memory_space<hbm>>, %arg3: memref<2x10240xf32, #tpu.memory_space<hbm>>, %arg4: memref<79x128xi32, #tpu.memory_space<vmem>>, %arg5: memref<128xf32, #tpu.memory_space<vmem>>, %arg6: memref<10240xf32, #tpu.memory_space<vmem_shared>>) attributes {dimension_semantics = [#tpu.dimension_semantics<core_parallel>, #tpu.dimension_semantics<subcore_parallel>], iteration_bounds = array<i64: 2, 16>, scalar_prefetch = 0 : i64, scratch_operands = 3 : i64, tpu.core_type = #tpu.core_type<sc_vector_subcore>, window_params = [{transform_indices = #map}, {transform_indices = #map1}]} {
    %mul3A = arith.constant 16 : i32
    %mul3A_0 = arith.muli %arg0, %mul3A : i32
    %add3A = arith.addi %mul3A_0, %arg1 : i32
    "tpu.region"() ({
      %run_scoped3A = tpu.sem_alloc : memref<!tpu.dma_semaphore, #tpu.memory_space<semaphore_mem>>
      %dma_start3A = arith.constant 0 : i32
      %dma_start3A_98 = arith.constant 0 : i32
      %dma_start3A_99 = tpu.memref_slice %arg2[%add3A, %dma_start3A, %dma_start3A_98] : memref<32x79x128xi32, #tpu.memory_space<hbm>> -> memref<1x79x128xi32, #tpu.memory_space<hbm>>
      %dma_start3A_100 = tpu.memref_squeeze %dma_start3A_99 : memref<1x79x128xi32, #tpu.memory_space<hbm>> -> memref<79x128xi32, #tpu.memory_space<hbm>>
      %dma_start3A_101 = arith.constant 0 : i32
      %dma_start3A_102 = arith.constant 0 : i32
      %dma_start3A_103 = tpu.memref_slice %arg2[%add3A, %dma_start3A_101, %dma_start3A_102] : memref<32x79x128xi32, #tpu.memory_space<hbm>> -> memref<1x79x128xi32, #tpu.memory_space<hbm>>
      %dma_start3A_104 = tpu.memref_squeeze %dma_start3A_103 : memref<1x79x128xi32, #tpu.memory_space<hbm>> -> memref<79x128xi32, #tpu.memory_space<hbm>>
      tpu.enqueue_dma source(%dma_start3A_104 : memref<79x128xi32, #tpu.memory_space<hbm>>) target(%arg4 : memref<79x128xi32, #tpu.memory_space<vmem>>) target_semaphore(%run_scoped3A : memref<!tpu.dma_semaphore, #tpu.memory_space<semaphore_mem>>)
      %dma_wait3A = arith.constant 0 : i32
      %dma_wait3A_105 = arith.constant 0 : i32
      %dma_wait3A_106 = tpu.memref_slice %arg2[%add3A, %dma_wait3A, %dma_wait3A_105] : memref<32x79x128xi32, #tpu.memory_space<hbm>> -> memref<1x79x128xi32, #tpu.memory_space<hbm>>
      %dma_wait3A_107 = tpu.memref_squeeze %dma_wait3A_106 : memref<1x79x128xi32, #tpu.memory_space<hbm>> -> memref<79x128xi32, #tpu.memory_space<hbm>>
      %dma_wait3A_108 = arith.constant 0 : i32
      %dma_wait3A_109 = arith.constant 0 : i32
      %dma_wait3A_110 = tpu.memref_slice %arg2[%add3A, %dma_wait3A_108, %dma_wait3A_109] : memref<32x79x128xi32, #tpu.memory_space<hbm>> -> memref<1x79x128xi32, #tpu.memory_space<hbm>>
      %dma_wait3A_111 = tpu.memref_squeeze %dma_wait3A_110 : memref<1x79x128xi32, #tpu.memory_space<hbm>> -> memref<79x128xi32, #tpu.memory_space<hbm>>
      tpu.wait_dma2 semaphore(%run_scoped3A : memref<!tpu.dma_semaphore, #tpu.memory_space<semaphore_mem>>) src(%dma_wait3A_111 : memref<79x128xi32, #tpu.memory_space<hbm>>) dst(%arg4 : memref<79x128xi32, #tpu.memory_space<vmem>>)
      tpu.yield
    }) : () -> ()
    %broadcast_in_dim3A = arith.constant 0.000000e+00 : f32
    %broadcast_in_dim3A_1 = vector.broadcast %broadcast_in_dim3A : f32 to vector<16xf32>
    %broadcast_in_dim3A_2 = arith.constant 1.000000e+00 : f32
    %broadcast_in_dim3A_3 = vector.broadcast %broadcast_in_dim3A_2 : f32 to vector<16xf32>
    %swap3A = arith.constant 0 : index
    %swap3A_4 = tpu.vector_load %arg5[%swap3A] {strides = array<i32>} : memref<128xf32, #tpu.memory_space<vmem>>, vector<16xf32>,
    %swap3A_5 = vector.shape_cast %swap3A_4 : vector<16xf32> to vector<16xf32>
    %swap3A_6 = vector.shape_cast %broadcast_in_dim3A_1 : vector<16xf32> to vector<16xf32>
    tpu.vector_store %arg5[%swap3A], %swap3A_6 {strides = array<i32>} : memref<128xf32, #tpu.memory_space<vmem>>, vector<16xf32>,
    %swap3A_7 = arith.constant 16 : index
    %swap3A_8 = tpu.vector_load %arg5[%swap3A_7] {strides = array<i32>} : memref<128xf32, #tpu.memory_space<vmem>>, vector<16xf32>,
    %swap3A_9 = vector.shape_cast %swap3A_8 : vector<16xf32> to vector<16xf32>
    %swap3A_10 = vector.shape_cast %broadcast_in_dim3A_1 : vector<16xf32> to vector<16xf32>
    tpu.vector_store %arg5[%swap3A_7], %swap3A_10 {strides = array<i32>} : memref<128xf32, #tpu.memory_space<vmem>>, vector<16xf32>,
    %swap3A_11 = arith.constant 32 : index
    %swap3A_12 = tpu.vector_load %arg5[%swap3A_11] {strides = array<i32>} : memref<128xf32, #tpu.memory_space<vmem>>, vector<16xf32>,
    %swap3A_13 = vector.shape_cast %swap3A_12 : vector<16xf32> to vector<16xf32>
    %swap3A_14 = vector.shape_cast %broadcast_in_dim3A_1 : vector<16xf32> to vector<16xf32>
    tpu.vector_store %arg5[%swap3A_11], %swap3A_14 {strides = array<i32>} : memref<128xf32, #tpu.memory_space<vmem>>, vector<16xf32>,
    %swap3A_15 = arith.constant 48 : index
    %swap3A_16 = tpu.vector_load %arg5[%swap3A_15] {strides = array<i32>} : memref<128xf32, #tpu.memory_space<vmem>>, vector<16xf32>,
    %swap3A_17 = vector.shape_cast %swap3A_16 : vector<16xf32> to vector<16xf32>
    %swap3A_18 = vector.shape_cast %broadcast_in_dim3A_1 : vector<16xf32> to vector<16xf32>
    tpu.vector_store %arg5[%swap3A_15], %swap3A_18 {strides = array<i32>} : memref<128xf32, #tpu.memory_space<vmem>>, vector<16xf32>,
    %swap3A_19 = arith.constant 64 : index
    %swap3A_20 = tpu.vector_load %arg5[%swap3A_19] {strides = array<i32>} : memref<128xf32, #tpu.memory_space<vmem>>, vector<16xf32>,
    %swap3A_21 = vector.shape_cast %swap3A_20 : vector<16xf32> to vector<16xf32>
    %swap3A_22 = vector.shape_cast %broadcast_in_dim3A_1 : vector<16xf32> to vector<16xf32>
    tpu.vector_store %arg5[%swap3A_19], %swap3A_22 {strides = array<i32>} : memref<128xf32, #tpu.memory_space<vmem>>, vector<16xf32>,
    %swap3A_23 = arith.constant 80 : index
    %swap3A_24 = tpu.vector_load %arg5[%swap3A_23] {strides = array<i32>} : memref<128xf32, #tpu.memory_space<vmem>>, vector<16xf32>,
    %swap3A_25 = vector.shape_cast %swap3A_24 : vector<16xf32> to vector<16xf32>
    %swap3A_26 = vector.shape_cast %broadcast_in_dim3A_1 : vector<16xf32> to vector<16xf32>
    tpu.vector_store %arg5[%swap3A_23], %swap3A_26 {strides = array<i32>} : memref<128xf32, #tpu.memory_space<vmem>>, vector<16xf32>,
    %swap3A_27 = arith.constant 96 : index
    %swap3A_28 = tpu.vector_load %arg5[%swap3A_27] {strides = array<i32>} : memref<128xf32, #tpu.memory_space<vmem>>, vector<16xf32>,
    %swap3A_29 = vector.shape_cast %swap3A_28 : vector<16xf32> to vector<16xf32>
    %swap3A_30 = vector.shape_cast %broadcast_in_dim3A_1 : vector<16xf32> to vector<16xf32>
    tpu.vector_store %arg5[%swap3A_27], %swap3A_30 {strides = array<i32>} : memref<128xf32, #tpu.memory_space<vmem>>, vector<16xf32>,
    %swap3A_31 = arith.constant 112 : index
    %swap3A_32 = tpu.vector_load %arg5[%swap3A_31] {strides = array<i32>} : memref<128xf32, #tpu.memory_space<vmem>>, vector<16xf32>,
    %swap3A_33 = vector.shape_cast %swap3A_32 : vector<16xf32> to vector<16xf32>
    %swap3A_34 = vector.shape_cast %broadcast_in_dim3A_1 : vector<16xf32> to vector<16xf32>
    tpu.vector_store %arg5[%swap3A_31], %swap3A_34 {strides = array<i32>} : memref<128xf32, #tpu.memory_space<vmem>>, vector<16xf32>,
    %mul3A_35 = arith.constant 640 : i32
    %mul3A_36 = arith.muli %arg1, %mul3A_35 : i32
    %add3A_37 = arith.constant 0 : i32
    %add3A_38 = arith.addi %mul3A_36, %add3A_37 : i32
    "tpu.region"() ({
      %run_scoped3A = tpu.sem_alloc : memref<!tpu.dma_semaphore, #tpu.memory_space<semaphore_mem>>
      %dma_start3A = tpu.memref_slice %arg6[%add3A_38] : memref<10240xf32, #tpu.memory_space<vmem_shared>> -> memref<128xf32, #tpu.memory_space<vmem_shared>>
      %dma_start3A_98 = tpu.memref_slice %arg6[%add3A_38] : memref<10240xf32, #tpu.memory_space<vmem_shared>> -> memref<128xf32, #tpu.memory_space<vmem_shared>>
      tpu.enqueue_dma source(%arg5 : memref<128xf32, #tpu.memory_space<vmem>>) target(%dma_start3A_98 : memref<128xf32, #tpu.memory_space<vmem_shared>>) target_semaphore(%run_scoped3A : memref<!tpu.dma_semaphore, #tpu.memory_space<semaphore_mem>>)
      %dma_wait3A = tpu.memref_slice %arg6[%add3A_38] : memref<10240xf32, #tpu.memory_space<vmem_shared>> -> memref<128xf32, #tpu.memory_space<vmem_shared>>
      %dma_wait3A_99 = tpu.memref_slice %arg6[%add3A_38] : memref<10240xf32, #tpu.memory_space<vmem_shared>> -> memref<128xf32, #tpu.memory_space<vmem_shared>>
      tpu.wait_dma2 semaphore(%run_scoped3A : memref<!tpu.dma_semaphore, #tpu.memory_space<semaphore_mem>>) src(%arg5 : memref<128xf32, #tpu.memory_space<vmem>>) dst(%dma_wait3A_99 : memref<128xf32, #tpu.memory_space<vmem_shared>>)
      tpu.yield
    }) : () -> ()
    %mul3A_39 = arith.constant 640 : i32
    %mul3A_40 = arith.muli %arg1, %mul3A_39 : i32
    %add3A_41 = arith.constant 128 : i32
    %add3A_42 = arith.addi %mul3A_40, %add3A_41 : i32
    "tpu.region"() ({
      %run_scoped3A = tpu.sem_alloc : memref<!tpu.dma_semaphore, #tpu.memory_space<semaphore_mem>>
      %dma_start3A = tpu.memref_slice %arg6[%add3A_42] : memref<10240xf32, #tpu.memory_space<vmem_shared>> -> memref<128xf32, #tpu.memory_space<vmem_shared>>
      %dma_start3A_98 = tpu.memref_slice %arg6[%add3A_42] : memref<10240xf32, #tpu.memory_space<vmem_shared>> -> memref<128xf32, #tpu.memory_space<vmem_shared>>
      tpu.enqueue_dma source(%arg5 : memref<128xf32, #tpu.memory_space<vmem>>) target(%dma_start3A_98 : memref<128xf32, #tpu.memory_space<vmem_shared>>) target_semaphore(%run_scoped3A : memref<!tpu.dma_semaphore, #tpu.memory_space<semaphore_mem>>)
      %dma_wait3A = tpu.memref_slice %arg6[%add3A_42] : memref<10240xf32, #tpu.memory_space<vmem_shared>> -> memref<128xf32, #tpu.memory_space<vmem_shared>>
      %dma_wait3A_99 = tpu.memref_slice %arg6[%add3A_42] : memref<10240xf32, #tpu.memory_space<vmem_shared>> -> memref<128xf32, #tpu.memory_space<vmem_shared>>
      tpu.wait_dma2 semaphore(%run_scoped3A : memref<!tpu.dma_semaphore, #tpu.memory_space<semaphore_mem>>) src(%arg5 : memref<128xf32, #tpu.memory_space<vmem>>) dst(%dma_wait3A_99 : memref<128xf32, #tpu.memory_space<vmem_shared>>)
      tpu.yield
    }) : () -> ()
    %mul3A_43 = arith.constant 640 : i32
    %mul3A_44 = arith.muli %arg1, %mul3A_43 : i32
    %add3A_45 = arith.constant 256 : i32
    %add3A_46 = arith.addi %mul3A_44, %add3A_45 : i32
    "tpu.region"() ({
      %run_scoped3A = tpu.sem_alloc : memref<!tpu.dma_semaphore, #tpu.memory_space<semaphore_mem>>
      %dma_start3A = tpu.memref_slice %arg6[%add3A_46] : memref<10240xf32, #tpu.memory_space<vmem_shared>> -> memref<128xf32, #tpu.memory_space<vmem_shared>>
      %dma_start3A_98 = tpu.memref_slice %arg6[%add3A_46] : memref<10240xf32, #tpu.memory_space<vmem_shared>> -> memref<128xf32, #tpu.memory_space<vmem_shared>>
      tpu.enqueue_dma source(%arg5 : memref<128xf32, #tpu.memory_space<vmem>>) target(%dma_start3A_98 : memref<128xf32, #tpu.memory_space<vmem_shared>>) target_semaphore(%run_scoped3A : memref<!tpu.dma_semaphore, #tpu.memory_space<semaphore_mem>>)
      %dma_wait3A = tpu.memref_slice %arg6[%add3A_46] : memref<10240xf32, #tpu.memory_space<vmem_shared>> -> memref<128xf32, #tpu.memory_space<vmem_shared>>
      %dma_wait3A_99 = tpu.memref_slice %arg6[%add3A_46] : memref<10240xf32, #tpu.memory_space<vmem_shared>> -> memref<128xf32, #tpu.memory_space<vmem_shared>>
      tpu.wait_dma2 semaphore(%run_scoped3A : memref<!tpu.dma_semaphore, #tpu.memory_space<semaphore_mem>>) src(%arg5 : memref<128xf32, #tpu.memory_space<vmem>>) dst(%dma_wait3A_99 : memref<128xf32, #tpu.memory_space<vmem_shared>>)
      tpu.yield
    }) : () -> ()
    %mul3A_47 = arith.constant 640 : i32
    %mul3A_48 = arith.muli %arg1, %mul3A_47 : i32
    %add3A_49 = arith.constant 384 : i32
    %add3A_50 = arith.addi %mul3A_48, %add3A_49 : i32
    "tpu.region"() ({
      %run_scoped3A = tpu.sem_alloc : memref<!tpu.dma_semaphore, #tpu.memory_space<semaphore_mem>>
      %dma_start3A = tpu.memref_slice %arg6[%add3A_50] : memref<10240xf32, #tpu.memory_space<vmem_shared>> -> memref<128xf32, #tpu.memory_space<vmem_shared>>
      %dma_start3A_98 = tpu.memref_slice %arg6[%add3A_50] : memref<10240xf32, #tpu.memory_space<vmem_shared>> -> memref<128xf32, #tpu.memory_space<vmem_shared>>
      tpu.enqueue_dma source(%arg5 : memref<128xf32, #tpu.memory_space<vmem>>) target(%dma_start3A_98 : memref<128xf32, #tpu.memory_space<vmem_shared>>) target_semaphore(%run_scoped3A : memref<!tpu.dma_semaphore, #tpu.memory_space<semaphore_mem>>)
      %dma_wait3A = tpu.memref_slice %arg6[%add3A_50] : memref<10240xf32, #tpu.memory_space<vmem_shared>> -> memref<128xf32, #tpu.memory_space<vmem_shared>>
      %dma_wait3A_99 = tpu.memref_slice %arg6[%add3A_50] : memref<10240xf32, #tpu.memory_space<vmem_shared>> -> memref<128xf32, #tpu.memory_space<vmem_shared>>
      tpu.wait_dma2 semaphore(%run_scoped3A : memref<!tpu.dma_semaphore, #tpu.memory_space<semaphore_mem>>) src(%arg5 : memref<128xf32, #tpu.memory_space<vmem>>) dst(%dma_wait3A_99 : memref<128xf32, #tpu.memory_space<vmem_shared>>)
      tpu.yield
    }) : () -> ()
    %mul3A_51 = arith.constant 640 : i32
    %mul3A_52 = arith.muli %arg1, %mul3A_51 : i32
    %add3A_53 = arith.constant 512 : i32
    %add3A_54 = arith.addi %mul3A_52, %add3A_53 : i32
    "tpu.region"() ({
      %run_scoped3A = tpu.sem_alloc : memref<!tpu.dma_semaphore, #tpu.memory_space<semaphore_mem>>
      %dma_start3A = tpu.memref_slice %arg6[%add3A_54] : memref<10240xf32, #tpu.memory_space<vmem_shared>> -> memref<128xf32, #tpu.memory_space<vmem_shared>>
      %dma_start3A_98 = tpu.memref_slice %arg6[%add3A_54] : memref<10240xf32, #tpu.memory_space<vmem_shared>> -> memref<128xf32, #tpu.memory_space<vmem_shared>>
      tpu.enqueue_dma source(%arg5 : memref<128xf32, #tpu.memory_space<vmem>>) target(%dma_start3A_98 : memref<128xf32, #tpu.memory_space<vmem_shared>>) target_semaphore(%run_scoped3A : memref<!tpu.dma_semaphore, #tpu.memory_space<semaphore_mem>>)
      %dma_wait3A = tpu.memref_slice %arg6[%add3A_54] : memref<10240xf32, #tpu.memory_space<vmem_shared>> -> memref<128xf32, #tpu.memory_space<vmem_shared>>
      %dma_wait3A_99 = tpu.memref_slice %arg6[%add3A_54] : memref<10240xf32, #tpu.memory_space<vmem_shared>> -> memref<128xf32, #tpu.memory_space<vmem_shared>>
      tpu.wait_dma2 semaphore(%run_scoped3A : memref<!tpu.dma_semaphore, #tpu.memory_space<semaphore_mem>>) src(%arg5 : memref<128xf32, #tpu.memory_space<vmem>>) dst(%dma_wait3A_99 : memref<128xf32, #tpu.memory_space<vmem_shared>>)
      tpu.yield
    }) : () -> ()
    %swap3A_55 = arith.constant 0 : index
    %swap3A_56 = tpu.vector_load %arg5[%swap3A_55] {strides = array<i32>} : memref<128xf32, #tpu.memory_space<vmem>>, vector<16xf32>,
    %swap3A_57 = vector.shape_cast %swap3A_56 : vector<16xf32> to vector<16xf32>
    %swap3A_58 = vector.shape_cast %broadcast_in_dim3A_3 : vector<16xf32> to vector<16xf32>
    tpu.vector_store %arg5[%swap3A_55], %swap3A_58 {strides = array<i32>} : memref<128xf32, #tpu.memory_space<vmem>>, vector<16xf32>,
    %swap3A_59 = arith.constant 16 : index
    %swap3A_60 = tpu.vector_load %arg5[%swap3A_59] {strides = array<i32>} : memref<128xf32, #tpu.memory_space<vmem>>, vector<16xf32>,
    %swap3A_61 = vector.shape_cast %swap3A_60 : vector<16xf32> to vector<16xf32>
    %swap3A_62 = vector.shape_cast %broadcast_in_dim3A_3 : vector<16xf32> to vector<16xf32>
    tpu.vector_store %arg5[%swap3A_59], %swap3A_62 {strides = array<i32>} : memref<128xf32, #tpu.memory_space<vmem>>, vector<16xf32>,
    %swap3A_63 = arith.constant 32 : index
    %swap3A_64 = tpu.vector_load %arg5[%swap3A_63] {strides = array<i32>} : memref<128xf32, #tpu.memory_space<vmem>>, vector<16xf32>,
    %swap3A_65 = vector.shape_cast %swap3A_64 : vector<16xf32> to vector<16xf32>
    %swap3A_66 = vector.shape_cast %broadcast_in_dim3A_3 : vector<16xf32> to vector<16xf32>
    tpu.vector_store %arg5[%swap3A_63], %swap3A_66 {strides = array<i32>} : memref<128xf32, #tpu.memory_space<vmem>>, vector<16xf32>,
    %swap3A_67 = arith.constant 48 : index
    %swap3A_68 = tpu.vector_load %arg5[%swap3A_67] {strides = array<i32>} : memref<128xf32, #tpu.memory_space<vmem>>, vector<16xf32>,
    %swap3A_69 = vector.shape_cast %swap3A_68 : vector<16xf32> to vector<16xf32>
    %swap3A_70 = vector.shape_cast %broadcast_in_dim3A_3 : vector<16xf32> to vector<16xf32>
    tpu.vector_store %arg5[%swap3A_67], %swap3A_70 {strides = array<i32>} : memref<128xf32, #tpu.memory_space<vmem>>, vector<16xf32>,
    %swap3A_71 = arith.constant 64 : index
    %swap3A_72 = tpu.vector_load %arg5[%swap3A_71] {strides = array<i32>} : memref<128xf32, #tpu.memory_space<vmem>>, vector<16xf32>,
    %swap3A_73 = vector.shape_cast %swap3A_72 : vector<16xf32> to vector<16xf32>
    %swap3A_74 = vector.shape_cast %broadcast_in_dim3A_3 : vector<16xf32> to vector<16xf32>
    tpu.vector_store %arg5[%swap3A_71], %swap3A_74 {strides = array<i32>} : memref<128xf32, #tpu.memory_space<vmem>>, vector<16xf32>,
    %swap3A_75 = arith.constant 80 : index
    %swap3A_76 = tpu.vector_load %arg5[%swap3A_75] {strides = array<i32>} : memref<128xf32, #tpu.memory_space<vmem>>, vector<16xf32>,
    %swap3A_77 = vector.shape_cast %swap3A_76 : vector<16xf32> to vector<16xf32>
    %swap3A_78 = vector.shape_cast %broadcast_in_dim3A_3 : vector<16xf32> to vector<16xf32>
    tpu.vector_store %arg5[%swap3A_75], %swap3A_78 {strides = array<i32>} : memref<128xf32, #tpu.memory_space<vmem>>, vector<16xf32>,
    %swap3A_79 = arith.constant 96 : index
    %swap3A_80 = tpu.vector_load %arg5[%swap3A_79] {strides = array<i32>} : memref<128xf32, #tpu.memory_space<vmem>>, vector<16xf32>,
    %swap3A_81 = vector.shape_cast %swap3A_80 : vector<16xf32> to vector<16xf32>
    %swap3A_82 = vector.shape_cast %broadcast_in_dim3A_3 : vector<16xf32> to vector<16xf32>
    tpu.vector_store %arg5[%swap3A_79], %swap3A_82 {strides = array<i32>} : memref<128xf32, #tpu.memory_space<vmem>>, vector<16xf32>,
    %swap3A_83 = arith.constant 112 : index
    %swap3A_84 = tpu.vector_load %arg5[%swap3A_83] {strides = array<i32>} : memref<128xf32, #tpu.memory_space<vmem>>, vector<16xf32>,
    %swap3A_85 = vector.shape_cast %swap3A_84 : vector<16xf32> to vector<16xf32>
    %swap3A_86 = vector.shape_cast %broadcast_in_dim3A_3 : vector<16xf32> to vector<16xf32>
    tpu.vector_store %arg5[%swap3A_83], %swap3A_86 {strides = array<i32>} : memref<128xf32, #tpu.memory_space<vmem>>, vector<16xf32>,
    %barrier3A = arith.constant 0 : index
    tpu.barrier barrier_id(%barrier3A)
    %scan3A = arith.constant 0 : i32
    %scan3A_87 = arith.constant 0 : i32
    %scan3A_88 = arith.constant 79 : i32
    %scan3A_89 = arith.addi %scan3A_87, %scan3A_88 : i32
    %scan3A_90 = arith.constant 1 : i32
    %scan3A_91 = scf.for %scan3A_98 = %scan3A_87 to %scan3A_89 step %scan3A_90 iter_args(%scan3A_99 = %scan3A) -> (i32)  : i32 {
      "tpu.region"() ({
        %run_scoped3A = tpu.sem_alloc : memref<!tpu.dma_semaphore, #tpu.memory_space<semaphore_mem>>
        %dma_start3A = arith.constant 0 : i32
        %dma_start3A_101 = tpu.memref_slice %arg4[%scan3A_98, %dma_start3A] : memref<79x128xi32, #tpu.memory_space<vmem>> -> memref<1x128xi32, #tpu.memory_space<vmem>>
        %dma_start3A_102 = tpu.memref_squeeze %dma_start3A_101 : memref<1x128xi32, #tpu.memory_space<vmem>> -> memref<128xi32, #tpu.memory_space<vmem>>
        %dma_start3A_103 = arith.constant 0 : i32
        %dma_start3A_104 = tpu.memref_slice %arg6[%dma_start3A_103] : memref<10240xf32, #tpu.memory_space<vmem_shared>> -> memref<10240xf32, #tpu.memory_space<vmem_shared>>
        tpu.enqueue_indirect_dma source(%arg5 : memref<128xf32, #tpu.memory_space<vmem>>) target(%dma_start3A_104 : memref<10240xf32, #tpu.memory_space<vmem_shared>>) offsets(%dma_start3A_102 : memref<128xi32, #tpu.memory_space<vmem>>) semaphore(%run_scoped3A : memref<!tpu.dma_semaphore, #tpu.memory_space<semaphore_mem>>) {add = true}
        %dma_wait3A = arith.constant 0 : i32
        %dma_wait3A_105 = tpu.memref_slice %arg4[%scan3A_98, %dma_wait3A] : memref<79x128xi32, #tpu.memory_space<vmem>> -> memref<1x128xi32, #tpu.memory_space<vmem>>
        %dma_wait3A_106 = tpu.memref_squeeze %dma_wait3A_105 : memref<1x128xi32, #tpu.memory_space<vmem>> -> memref<128xi32, #tpu.memory_space<vmem>>
        %dma_wait3A_107 = arith.constant 0 : i32
        %dma_wait3A_108 = tpu.memref_slice %arg6[%dma_wait3A_107] : memref<10240xf32, #tpu.memory_space<vmem_shared>> -> memref<10240xf32, #tpu.memory_space<vmem_shared>>
        tpu.wait_indirect_dma semaphore(%run_scoped3A : memref<!tpu.dma_semaphore, #tpu.memory_space<semaphore_mem>>) src(%arg5 : memref<128xf32, #tpu.memory_space<vmem>>) dst(%dma_wait3A_108 : memref<10240xf32, #tpu.memory_space<vmem_shared>>)
        tpu.yield
      }) : () -> ()
      %scan3A_100 = arith.constant 0 : i32
      scf.yield %scan3A_100 : i32
    }
    %scan3A_92 = arith.constant 79 : i32
    %barrier3A_93 = arith.constant 0 : index
    tpu.barrier barrier_id(%barrier3A_93)
    %mul3A_94 = arith.constant 640 : i32
    %mul3A_95 = arith.muli %arg1, %mul3A_94 : i32
    %mul3A_96 = arith.constant 640 : i32
    %mul3A_97 = arith.muli %arg1, %mul3A_96 : i32
    "tpu.region"() ({
      %run_scoped3A = tpu.sem_alloc : memref<!tpu.dma_semaphore, #tpu.memory_space<semaphore_mem>>
      %dma_start3A = tpu.memref_slice %arg3[%arg0, %mul3A_97] : memref<2x10240xf32, #tpu.memory_space<hbm>> -> memref<1x640xf32, #tpu.memory_space<hbm>>
      %dma_start3A_98 = tpu.memref_squeeze %dma_start3A : memref<1x640xf32, #tpu.memory_space<hbm>> -> memref<640xf32, #tpu.memory_space<hbm>>
      %dma_start3A_99 = tpu.memref_slice %arg6[%mul3A_95] : memref<10240xf32, #tpu.memory_space<vmem_shared>> -> memref<640xf32, #tpu.memory_space<vmem_shared>>
      tpu.enqueue_dma source(%dma_start3A_99 : memref<640xf32, #tpu.memory_space<vmem_shared>>) target(%dma_start3A_98 : memref<640xf32, #tpu.memory_space<hbm>>) target_semaphore(%run_scoped3A : memref<!tpu.dma_semaphore, #tpu.memory_space<semaphore_mem>>)
      %dma_wait3A = tpu.memref_slice %arg3[%arg0, %mul3A_97] : memref<2x10240xf32, #tpu.memory_space<hbm>> -> memref<1x640xf32, #tpu.memory_space<hbm>>
      %dma_wait3A_100 = tpu.memref_squeeze %dma_wait3A : memref<1x640xf32, #tpu.memory_space<hbm>> -> memref<640xf32, #tpu.memory_space<hbm>>
      %dma_wait3A_101 = tpu.memref_slice %arg6[%mul3A_95] : memref<10240xf32, #tpu.memory_space<vmem_shared>> -> memref<640xf32, #tpu.memory_space<vmem_shared>>
      tpu.wait_dma2 semaphore(%run_scoped3A : memref<!tpu.dma_semaphore, #tpu.memory_space<semaphore_mem>>) src(%dma_wait3A_101 : memref<640xf32, #tpu.memory_space<vmem_shared>>) dst(%dma_wait3A_100 : memref<640xf32, #tpu.memory_space<hbm>>)
      tpu.yield
    }) : () -> ()
    return
  }
}

#map = affine_map<(d0, d1) -> (0, 0)>
#map1 = affine_map<(d0, d1) -> (0, 0, 0)>
module attributes {stable_mosaic.version = 14 : i64} {
  func.func @sc_aggregate(%arg0: i32, %arg1: i32, %arg2: memref<10240x128xf32, #tpu.memory_space<hbm>>, %arg3: memref<32x79x128xi32, #tpu.memory_space<hbm>>, %arg4: memref<32x79x128xi32, #tpu.memory_space<hbm>>, %arg5: memref<2x10240x128xf32, #tpu.memory_space<hbm>>, %arg6: memref<79x128xi32, #tpu.memory_space<vmem>>, %arg7: memref<79x128xi32, #tpu.memory_space<vmem>>, %arg8: memref<128x128xf32, #tpu.memory_space<vmem>>, %arg9: memref<10240x128xf32, #tpu.memory_space<vmem_shared>>, %arg10: memref<!tpu.dma_semaphore, #tpu.memory_space<semaphore_mem>>) attributes {dimension_semantics = [#tpu.dimension_semantics<core_parallel>, #tpu.dimension_semantics<subcore_parallel>], iteration_bounds = array<i64: 2, 16>, scalar_prefetch = 0 : i64, scratch_operands = 5 : i64, tpu.core_type = #tpu.core_type<sc_vector_subcore>, window_params = [{transform_indices = #map}, {transform_indices = #map1}, {transform_indices = #map1}, {transform_indices = #map1}]} {
    %mul3A = arith.constant 16 : i32
    %mul3A_0 = arith.muli %arg0, %mul3A : i32
    %add3A = arith.addi %mul3A_0, %arg1 : i32
    %broadcast_in_dim3A = arith.constant 0.000000e+00 : f32
    %broadcast_in_dim3A_1 = vector.broadcast %broadcast_in_dim3A : f32 to vector<16xf32>
    %scan3A = arith.constant 0 : i32
    %scan3A_2 = arith.constant 0 : i32
    %scan3A_3 = arith.constant 128 : i32
    %scan3A_4 = arith.addi %scan3A_2, %scan3A_3 : i32
    %scan3A_5 = arith.constant 1 : i32
    %scan3A_6 = scf.for %scan3A_40 = %scan3A_2 to %scan3A_4 step %scan3A_5 iter_args(%scan3A_41 = %scan3A) -> (i32)  : i32 {
      %swap3A = arith.index_cast %scan3A_40 : i32 to index
      %swap3A_42 = arith.constant 0 : index
      %swap3A_43 = tpu.vector_load %arg8[%swap3A, %swap3A_42] {strides = array<i32>} : memref<128x128xf32, #tpu.memory_space<vmem>>, vector<1x16xf32>,
      %swap3A_44 = vector.shape_cast %swap3A_43 : vector<1x16xf32> to vector<16xf32>
      %swap3A_45 = vector.shape_cast %broadcast_in_dim3A_1 : vector<16xf32> to vector<1x16xf32>
      tpu.vector_store %arg8[%swap3A, %swap3A_42], %swap3A_45 {strides = array<i32>} : memref<128x128xf32, #tpu.memory_space<vmem>>, vector<1x16xf32>,
      %swap3A_46 = arith.index_cast %scan3A_40 : i32 to index
      %swap3A_47 = arith.constant 16 : index
      %swap3A_48 = tpu.vector_load %arg8[%swap3A_46, %swap3A_47] {strides = array<i32>} : memref<128x128xf32, #tpu.memory_space<vmem>>, vector<1x16xf32>,
      %swap3A_49 = vector.shape_cast %swap3A_48 : vector<1x16xf32> to vector<16xf32>
      %swap3A_50 = vector.shape_cast %broadcast_in_dim3A_1 : vector<16xf32> to vector<1x16xf32>
      tpu.vector_store %arg8[%swap3A_46, %swap3A_47], %swap3A_50 {strides = array<i32>} : memref<128x128xf32, #tpu.memory_space<vmem>>, vector<1x16xf32>,
      %swap3A_51 = arith.index_cast %scan3A_40 : i32 to index
      %swap3A_52 = arith.constant 32 : index
      %swap3A_53 = tpu.vector_load %arg8[%swap3A_51, %swap3A_52] {strides = array<i32>} : memref<128x128xf32, #tpu.memory_space<vmem>>, vector<1x16xf32>,
      %swap3A_54 = vector.shape_cast %swap3A_53 : vector<1x16xf32> to vector<16xf32>
      %swap3A_55 = vector.shape_cast %broadcast_in_dim3A_1 : vector<16xf32> to vector<1x16xf32>
      tpu.vector_store %arg8[%swap3A_51, %swap3A_52], %swap3A_55 {strides = array<i32>} : memref<128x128xf32, #tpu.memory_space<vmem>>, vector<1x16xf32>,
      %swap3A_56 = arith.index_cast %scan3A_40 : i32 to index
      %swap3A_57 = arith.constant 48 : index
      %swap3A_58 = tpu.vector_load %arg8[%swap3A_56, %swap3A_57] {strides = array<i32>} : memref<128x128xf32, #tpu.memory_space<vmem>>, vector<1x16xf32>,
      %swap3A_59 = vector.shape_cast %swap3A_58 : vector<1x16xf32> to vector<16xf32>
      %swap3A_60 = vector.shape_cast %broadcast_in_dim3A_1 : vector<16xf32> to vector<1x16xf32>
      tpu.vector_store %arg8[%swap3A_56, %swap3A_57], %swap3A_60 {strides = array<i32>} : memref<128x128xf32, #tpu.memory_space<vmem>>, vector<1x16xf32>,
      %swap3A_61 = arith.index_cast %scan3A_40 : i32 to index
      %swap3A_62 = arith.constant 64 : index
      %swap3A_63 = tpu.vector_load %arg8[%swap3A_61, %swap3A_62] {strides = array<i32>} : memref<128x128xf32, #tpu.memory_space<vmem>>, vector<1x16xf32>,
      %swap3A_64 = vector.shape_cast %swap3A_63 : vector<1x16xf32> to vector<16xf32>
      %swap3A_65 = vector.shape_cast %broadcast_in_dim3A_1 : vector<16xf32> to vector<1x16xf32>
      tpu.vector_store %arg8[%swap3A_61, %swap3A_62], %swap3A_65 {strides = array<i32>} : memref<128x128xf32, #tpu.memory_space<vmem>>, vector<1x16xf32>,
      %swap3A_66 = arith.index_cast %scan3A_40 : i32 to index
      %swap3A_67 = arith.constant 80 : index
      %swap3A_68 = tpu.vector_load %arg8[%swap3A_66, %swap3A_67] {strides = array<i32>} : memref<128x128xf32, #tpu.memory_space<vmem>>, vector<1x16xf32>,
      %swap3A_69 = vector.shape_cast %swap3A_68 : vector<1x16xf32> to vector<16xf32>
      %swap3A_70 = vector.shape_cast %broadcast_in_dim3A_1 : vector<16xf32> to vector<1x16xf32>
      tpu.vector_store %arg8[%swap3A_66, %swap3A_67], %swap3A_70 {strides = array<i32>} : memref<128x128xf32, #tpu.memory_space<vmem>>, vector<1x16xf32>,
      %swap3A_71 = arith.index_cast %scan3A_40 : i32 to index
      %swap3A_72 = arith.constant 96 : index
      %swap3A_73 = tpu.vector_load %arg8[%swap3A_71, %swap3A_72] {strides = array<i32>} : memref<128x128xf32, #tpu.memory_space<vmem>>, vector<1x16xf32>,
      %swap3A_74 = vector.shape_cast %swap3A_73 : vector<1x16xf32> to vector<16xf32>
      %swap3A_75 = vector.shape_cast %broadcast_in_dim3A_1 : vector<16xf32> to vector<1x16xf32>
      tpu.vector_store %arg8[%swap3A_71, %swap3A_72], %swap3A_75 {strides = array<i32>} : memref<128x128xf32, #tpu.memory_space<vmem>>, vector<1x16xf32>,
      %swap3A_76 = arith.index_cast %scan3A_40 : i32 to index
      %swap3A_77 = arith.constant 112 : index
      %swap3A_78 = tpu.vector_load %arg8[%swap3A_76, %swap3A_77] {strides = array<i32>} : memref<128x128xf32, #tpu.memory_space<vmem>>, vector<1x16xf32>,
      %swap3A_79 = vector.shape_cast %swap3A_78 : vector<1x16xf32> to vector<16xf32>
      %swap3A_80 = vector.shape_cast %broadcast_in_dim3A_1 : vector<16xf32> to vector<1x16xf32>
      tpu.vector_store %arg8[%swap3A_76, %swap3A_77], %swap3A_80 {strides = array<i32>} : memref<128x128xf32, #tpu.memory_space<vmem>>, vector<1x16xf32>,
      %scan3A_81 = arith.constant 0 : i32
      scf.yield %scan3A_81 : i32
    }
    %scan3A_7 = arith.constant 128 : i32
    %mul3A_8 = arith.constant 640 : i32
    %mul3A_9 = arith.muli %arg1, %mul3A_8 : i32
    %add3A_10 = arith.constant 0 : i32
    %add3A_11 = arith.addi %mul3A_9, %add3A_10 : i32
    "tpu.region"() ({
      %run_scoped3A = tpu.sem_alloc : memref<!tpu.dma_semaphore, #tpu.memory_space<semaphore_mem>>
      %dma_start3A = arith.constant 0 : i32
      %dma_start3A_40 = tpu.memref_slice %arg9[%add3A_11, %dma_start3A] : memref<10240x128xf32, #tpu.memory_space<vmem_shared>> -> memref<128x128xf32, #tpu.memory_space<vmem_shared>>
      %dma_start3A_41 = arith.constant 0 : i32
      %dma_start3A_42 = tpu.memref_slice %arg9[%add3A_11, %dma_start3A_41] : memref<10240x128xf32, #tpu.memory_space<vmem_shared>> -> memref<128x128xf32, #tpu.memory_space<vmem_shared>>
      tpu.enqueue_dma source(%arg8 : memref<128x128xf32, #tpu.memory_space<vmem>>) target(%dma_start3A_42 : memref<128x128xf32, #tpu.memory_space<vmem_shared>>) target_semaphore(%run_scoped3A : memref<!tpu.dma_semaphore, #tpu.memory_space<semaphore_mem>>)
      %dma_wait3A = arith.constant 0 : i32
      %dma_wait3A_43 = tpu.memref_slice %arg9[%add3A_11, %dma_wait3A] : memref<10240x128xf32, #tpu.memory_space<vmem_shared>> -> memref<128x128xf32, #tpu.memory_space<vmem_shared>>
      %dma_wait3A_44 = arith.constant 0 : i32
      %dma_wait3A_45 = tpu.memref_slice %arg9[%add3A_11, %dma_wait3A_44] : memref<10240x128xf32, #tpu.memory_space<vmem_shared>> -> memref<128x128xf32, #tpu.memory_space<vmem_shared>>
      tpu.wait_dma2 semaphore(%run_scoped3A : memref<!tpu.dma_semaphore, #tpu.memory_space<semaphore_mem>>) src(%arg8 : memref<128x128xf32, #tpu.memory_space<vmem>>) dst(%dma_wait3A_45 : memref<128x128xf32, #tpu.memory_space<vmem_shared>>)
      tpu.yield
    }) : () -> ()
    %mul3A_12 = arith.constant 640 : i32
    %mul3A_13 = arith.muli %arg1, %mul3A_12 : i32
    %add3A_14 = arith.constant 128 : i32
    %add3A_15 = arith.addi %mul3A_13, %add3A_14 : i32
    "tpu.region"() ({
      %run_scoped3A = tpu.sem_alloc : memref<!tpu.dma_semaphore, #tpu.memory_space<semaphore_mem>>
      %dma_start3A = arith.constant 0 : i32
      %dma_start3A_40 = tpu.memref_slice %arg9[%add3A_15, %dma_start3A] : memref<10240x128xf32, #tpu.memory_space<vmem_shared>> -> memref<128x128xf32, #tpu.memory_space<vmem_shared>>
      %dma_start3A_41 = arith.constant 0 : i32
      %dma_start3A_42 = tpu.memref_slice %arg9[%add3A_15, %dma_start3A_41] : memref<10240x128xf32, #tpu.memory_space<vmem_shared>> -> memref<128x128xf32, #tpu.memory_space<vmem_shared>>
      tpu.enqueue_dma source(%arg8 : memref<128x128xf32, #tpu.memory_space<vmem>>) target(%dma_start3A_42 : memref<128x128xf32, #tpu.memory_space<vmem_shared>>) target_semaphore(%run_scoped3A : memref<!tpu.dma_semaphore, #tpu.memory_space<semaphore_mem>>)
      %dma_wait3A = arith.constant 0 : i32
      %dma_wait3A_43 = tpu.memref_slice %arg9[%add3A_15, %dma_wait3A] : memref<10240x128xf32, #tpu.memory_space<vmem_shared>> -> memref<128x128xf32, #tpu.memory_space<vmem_shared>>
      %dma_wait3A_44 = arith.constant 0 : i32
      %dma_wait3A_45 = tpu.memref_slice %arg9[%add3A_15, %dma_wait3A_44] : memref<10240x128xf32, #tpu.memory_space<vmem_shared>> -> memref<128x128xf32, #tpu.memory_space<vmem_shared>>
      tpu.wait_dma2 semaphore(%run_scoped3A : memref<!tpu.dma_semaphore, #tpu.memory_space<semaphore_mem>>) src(%arg8 : memref<128x128xf32, #tpu.memory_space<vmem>>) dst(%dma_wait3A_45 : memref<128x128xf32, #tpu.memory_space<vmem_shared>>)
      tpu.yield
    }) : () -> ()
    %mul3A_16 = arith.constant 640 : i32
    %mul3A_17 = arith.muli %arg1, %mul3A_16 : i32
    %add3A_18 = arith.constant 256 : i32
    %add3A_19 = arith.addi %mul3A_17, %add3A_18 : i32
    "tpu.region"() ({
      %run_scoped3A = tpu.sem_alloc : memref<!tpu.dma_semaphore, #tpu.memory_space<semaphore_mem>>
      %dma_start3A = arith.constant 0 : i32
      %dma_start3A_40 = tpu.memref_slice %arg9[%add3A_19, %dma_start3A] : memref<10240x128xf32, #tpu.memory_space<vmem_shared>> -> memref<128x128xf32, #tpu.memory_space<vmem_shared>>
      %dma_start3A_41 = arith.constant 0 : i32
      %dma_start3A_42 = tpu.memref_slice %arg9[%add3A_19, %dma_start3A_41] : memref<10240x128xf32, #tpu.memory_space<vmem_shared>> -> memref<128x128xf32, #tpu.memory_space<vmem_shared>>
      tpu.enqueue_dma source(%arg8 : memref<128x128xf32, #tpu.memory_space<vmem>>) target(%dma_start3A_42 : memref<128x128xf32, #tpu.memory_space<vmem_shared>>) target_semaphore(%run_scoped3A : memref<!tpu.dma_semaphore, #tpu.memory_space<semaphore_mem>>)
      %dma_wait3A = arith.constant 0 : i32
      %dma_wait3A_43 = tpu.memref_slice %arg9[%add3A_19, %dma_wait3A] : memref<10240x128xf32, #tpu.memory_space<vmem_shared>> -> memref<128x128xf32, #tpu.memory_space<vmem_shared>>
      %dma_wait3A_44 = arith.constant 0 : i32
      %dma_wait3A_45 = tpu.memref_slice %arg9[%add3A_19, %dma_wait3A_44] : memref<10240x128xf32, #tpu.memory_space<vmem_shared>> -> memref<128x128xf32, #tpu.memory_space<vmem_shared>>
      tpu.wait_dma2 semaphore(%run_scoped3A : memref<!tpu.dma_semaphore, #tpu.memory_space<semaphore_mem>>) src(%arg8 : memref<128x128xf32, #tpu.memory_space<vmem>>) dst(%dma_wait3A_45 : memref<128x128xf32, #tpu.memory_space<vmem_shared>>)
      tpu.yield
    }) : () -> ()
    %mul3A_20 = arith.constant 640 : i32
    %mul3A_21 = arith.muli %arg1, %mul3A_20 : i32
    %add3A_22 = arith.constant 384 : i32
    %add3A_23 = arith.addi %mul3A_21, %add3A_22 : i32
    "tpu.region"() ({
      %run_scoped3A = tpu.sem_alloc : memref<!tpu.dma_semaphore, #tpu.memory_space<semaphore_mem>>
      %dma_start3A = arith.constant 0 : i32
      %dma_start3A_40 = tpu.memref_slice %arg9[%add3A_23, %dma_start3A] : memref<10240x128xf32, #tpu.memory_space<vmem_shared>> -> memref<128x128xf32, #tpu.memory_space<vmem_shared>>
      %dma_start3A_41 = arith.constant 0 : i32
      %dma_start3A_42 = tpu.memref_slice %arg9[%add3A_23, %dma_start3A_41] : memref<10240x128xf32, #tpu.memory_space<vmem_shared>> -> memref<128x128xf32, #tpu.memory_space<vmem_shared>>
      tpu.enqueue_dma source(%arg8 : memref<128x128xf32, #tpu.memory_space<vmem>>) target(%dma_start3A_42 : memref<128x128xf32, #tpu.memory_space<vmem_shared>>) target_semaphore(%run_scoped3A : memref<!tpu.dma_semaphore, #tpu.memory_space<semaphore_mem>>)
      %dma_wait3A = arith.constant 0 : i32
      %dma_wait3A_43 = tpu.memref_slice %arg9[%add3A_23, %dma_wait3A] : memref<10240x128xf32, #tpu.memory_space<vmem_shared>> -> memref<128x128xf32, #tpu.memory_space<vmem_shared>>
      %dma_wait3A_44 = arith.constant 0 : i32
      %dma_wait3A_45 = tpu.memref_slice %arg9[%add3A_23, %dma_wait3A_44] : memref<10240x128xf32, #tpu.memory_space<vmem_shared>> -> memref<128x128xf32, #tpu.memory_space<vmem_shared>>
      tpu.wait_dma2 semaphore(%run_scoped3A : memref<!tpu.dma_semaphore, #tpu.memory_space<semaphore_mem>>) src(%arg8 : memref<128x128xf32, #tpu.memory_space<vmem>>) dst(%dma_wait3A_45 : memref<128x128xf32, #tpu.memory_space<vmem_shared>>)
      tpu.yield
    }) : () -> ()
    %mul3A_24 = arith.constant 640 : i32
    %mul3A_25 = arith.muli %arg1, %mul3A_24 : i32
    %add3A_26 = arith.constant 512 : i32
    %add3A_27 = arith.addi %mul3A_25, %add3A_26 : i32
    "tpu.region"() ({
      %run_scoped3A = tpu.sem_alloc : memref<!tpu.dma_semaphore, #tpu.memory_space<semaphore_mem>>
      %dma_start3A = arith.constant 0 : i32
      %dma_start3A_40 = tpu.memref_slice %arg9[%add3A_27, %dma_start3A] : memref<10240x128xf32, #tpu.memory_space<vmem_shared>> -> memref<128x128xf32, #tpu.memory_space<vmem_shared>>
      %dma_start3A_41 = arith.constant 0 : i32
      %dma_start3A_42 = tpu.memref_slice %arg9[%add3A_27, %dma_start3A_41] : memref<10240x128xf32, #tpu.memory_space<vmem_shared>> -> memref<128x128xf32, #tpu.memory_space<vmem_shared>>
      tpu.enqueue_dma source(%arg8 : memref<128x128xf32, #tpu.memory_space<vmem>>) target(%dma_start3A_42 : memref<128x128xf32, #tpu.memory_space<vmem_shared>>) target_semaphore(%run_scoped3A : memref<!tpu.dma_semaphore, #tpu.memory_space<semaphore_mem>>)
      %dma_wait3A = arith.constant 0 : i32
      %dma_wait3A_43 = tpu.memref_slice %arg9[%add3A_27, %dma_wait3A] : memref<10240x128xf32, #tpu.memory_space<vmem_shared>> -> memref<128x128xf32, #tpu.memory_space<vmem_shared>>
      %dma_wait3A_44 = arith.constant 0 : i32
      %dma_wait3A_45 = tpu.memref_slice %arg9[%add3A_27, %dma_wait3A_44] : memref<10240x128xf32, #tpu.memory_space<vmem_shared>> -> memref<128x128xf32, #tpu.memory_space<vmem_shared>>
      tpu.wait_dma2 semaphore(%run_scoped3A : memref<!tpu.dma_semaphore, #tpu.memory_space<semaphore_mem>>) src(%arg8 : memref<128x128xf32, #tpu.memory_space<vmem>>) dst(%dma_wait3A_45 : memref<128x128xf32, #tpu.memory_space<vmem_shared>>)
      tpu.yield
    }) : () -> ()
    %barrier3A = arith.constant 0 : index
    tpu.barrier barrier_id(%barrier3A)
    "tpu.region"() ({
      %run_scoped3A = tpu.sem_alloc : memref<!tpu.dma_semaphore, #tpu.memory_space<semaphore_mem>>
      %dma_start3A = arith.constant 0 : i32
      %dma_start3A_40 = arith.constant 0 : i32
      %dma_start3A_41 = tpu.memref_slice %arg3[%add3A, %dma_start3A, %dma_start3A_40] : memref<32x79x128xi32, #tpu.memory_space<hbm>> -> memref<1x79x128xi32, #tpu.memory_space<hbm>>
      %dma_start3A_42 = tpu.memref_squeeze %dma_start3A_41 : memref<1x79x128xi32, #tpu.memory_space<hbm>> -> memref<79x128xi32, #tpu.memory_space<hbm>>
      %dma_start3A_43 = arith.constant 0 : i32
      %dma_start3A_44 = arith.constant 0 : i32
      %dma_start3A_45 = tpu.memref_slice %arg3[%add3A, %dma_start3A_43, %dma_start3A_44] : memref<32x79x128xi32, #tpu.memory_space<hbm>> -> memref<1x79x128xi32, #tpu.memory_space<hbm>>
      %dma_start3A_46 = tpu.memref_squeeze %dma_start3A_45 : memref<1x79x128xi32, #tpu.memory_space<hbm>> -> memref<79x128xi32, #tpu.memory_space<hbm>>
      tpu.enqueue_dma source(%dma_start3A_46 : memref<79x128xi32, #tpu.memory_space<hbm>>) target(%arg6 : memref<79x128xi32, #tpu.memory_space<vmem>>) target_semaphore(%run_scoped3A : memref<!tpu.dma_semaphore, #tpu.memory_space<semaphore_mem>>)
      %dma_wait3A = arith.constant 0 : i32
      %dma_wait3A_47 = arith.constant 0 : i32
      %dma_wait3A_48 = tpu.memref_slice %arg3[%add3A, %dma_wait3A, %dma_wait3A_47] : memref<32x79x128xi32, #tpu.memory_space<hbm>> -> memref<1x79x128xi32, #tpu.memory_space<hbm>>
      %dma_wait3A_49 = tpu.memref_squeeze %dma_wait3A_48 : memref<1x79x128xi32, #tpu.memory_space<hbm>> -> memref<79x128xi32, #tpu.memory_space<hbm>>
      %dma_wait3A_50 = arith.constant 0 : i32
      %dma_wait3A_51 = arith.constant 0 : i32
      %dma_wait3A_52 = tpu.memref_slice %arg3[%add3A, %dma_wait3A_50, %dma_wait3A_51] : memref<32x79x128xi32, #tpu.memory_space<hbm>> -> memref<1x79x128xi32, #tpu.memory_space<hbm>>
      %dma_wait3A_53 = tpu.memref_squeeze %dma_wait3A_52 : memref<1x79x128xi32, #tpu.memory_space<hbm>> -> memref<79x128xi32, #tpu.memory_space<hbm>>
      tpu.wait_dma2 semaphore(%run_scoped3A : memref<!tpu.dma_semaphore, #tpu.memory_space<semaphore_mem>>) src(%dma_wait3A_53 : memref<79x128xi32, #tpu.memory_space<hbm>>) dst(%arg6 : memref<79x128xi32, #tpu.memory_space<vmem>>)
      tpu.yield
    }) : () -> ()
    "tpu.region"() ({
      %run_scoped3A = tpu.sem_alloc : memref<!tpu.dma_semaphore, #tpu.memory_space<semaphore_mem>>
      %dma_start3A = arith.constant 0 : i32
      %dma_start3A_40 = arith.constant 0 : i32
      %dma_start3A_41 = tpu.memref_slice %arg4[%add3A, %dma_start3A, %dma_start3A_40] : memref<32x79x128xi32, #tpu.memory_space<hbm>> -> memref<1x79x128xi32, #tpu.memory_space<hbm>>
      %dma_start3A_42 = tpu.memref_squeeze %dma_start3A_41 : memref<1x79x128xi32, #tpu.memory_space<hbm>> -> memref<79x128xi32, #tpu.memory_space<hbm>>
      %dma_start3A_43 = arith.constant 0 : i32
      %dma_start3A_44 = arith.constant 0 : i32
      %dma_start3A_45 = tpu.memref_slice %arg4[%add3A, %dma_start3A_43, %dma_start3A_44] : memref<32x79x128xi32, #tpu.memory_space<hbm>> -> memref<1x79x128xi32, #tpu.memory_space<hbm>>
      %dma_start3A_46 = tpu.memref_squeeze %dma_start3A_45 : memref<1x79x128xi32, #tpu.memory_space<hbm>> -> memref<79x128xi32, #tpu.memory_space<hbm>>
      tpu.enqueue_dma source(%dma_start3A_46 : memref<79x128xi32, #tpu.memory_space<hbm>>) target(%arg7 : memref<79x128xi32, #tpu.memory_space<vmem>>) target_semaphore(%run_scoped3A : memref<!tpu.dma_semaphore, #tpu.memory_space<semaphore_mem>>)
      %dma_wait3A = arith.constant 0 : i32
      %dma_wait3A_47 = arith.constant 0 : i32
      %dma_wait3A_48 = tpu.memref_slice %arg4[%add3A, %dma_wait3A, %dma_wait3A_47] : memref<32x79x128xi32, #tpu.memory_space<hbm>> -> memref<1x79x128xi32, #tpu.memory_space<hbm>>
      %dma_wait3A_49 = tpu.memref_squeeze %dma_wait3A_48 : memref<1x79x128xi32, #tpu.memory_space<hbm>> -> memref<79x128xi32, #tpu.memory_space<hbm>>
      %dma_wait3A_50 = arith.constant 0 : i32
      %dma_wait3A_51 = arith.constant 0 : i32
      %dma_wait3A_52 = tpu.memref_slice %arg4[%add3A, %dma_wait3A_50, %dma_wait3A_51] : memref<32x79x128xi32, #tpu.memory_space<hbm>> -> memref<1x79x128xi32, #tpu.memory_space<hbm>>
      %dma_wait3A_53 = tpu.memref_squeeze %dma_wait3A_52 : memref<1x79x128xi32, #tpu.memory_space<hbm>> -> memref<79x128xi32, #tpu.memory_space<hbm>>
      tpu.wait_dma2 semaphore(%run_scoped3A : memref<!tpu.dma_semaphore, #tpu.memory_space<semaphore_mem>>) src(%dma_wait3A_53 : memref<79x128xi32, #tpu.memory_space<hbm>>) dst(%arg7 : memref<79x128xi32, #tpu.memory_space<vmem>>)
      tpu.yield
    }) : () -> ()
    %scan3A_28 = arith.constant 0 : i32
    %scan3A_29 = arith.constant 0 : i32
    %scan3A_30 = arith.constant 79 : i32
    %scan3A_31 = arith.addi %scan3A_29, %scan3A_30 : i32
    %scan3A_32 = arith.constant 1 : i32
    %scan3A_33 = scf.for %scan3A_40 = %scan3A_29 to %scan3A_31 step %scan3A_32 iter_args(%scan3A_41 = %scan3A_28) -> (i32)  : i32 {
      %dma_start3A = arith.constant 0 : i32
      %dma_start3A_42 = tpu.memref_slice %arg6[%scan3A_40, %dma_start3A] : memref<79x128xi32, #tpu.memory_space<vmem>> -> memref<1x128xi32, #tpu.memory_space<vmem>>
      %dma_start3A_43 = tpu.memref_squeeze %dma_start3A_42 : memref<1x128xi32, #tpu.memory_space<vmem>> -> memref<128xi32, #tpu.memory_space<vmem>>
      %dma_start3A_44 = arith.constant 0 : i32
      %dma_start3A_45 = arith.constant 0 : i32
      %dma_start3A_46 = tpu.memref_slice %arg2[%dma_start3A_44, %dma_start3A_45] : memref<10240x128xf32, #tpu.memory_space<hbm>> -> memref<10240x128xf32, #tpu.memory_space<hbm>>
      tpu.enqueue_indirect_dma source(%dma_start3A_46 : memref<10240x128xf32, #tpu.memory_space<hbm>>) target(%arg8 : memref<128x128xf32, #tpu.memory_space<vmem>>) offsets(%dma_start3A_43 : memref<128xi32, #tpu.memory_space<vmem>>) semaphore(%arg10 : memref<!tpu.dma_semaphore, #tpu.memory_space<semaphore_mem>>)
      %dma_wait3A = arith.constant 0 : i32
      %dma_wait3A_47 = tpu.memref_slice %arg6[%scan3A_40, %dma_wait3A] : memref<79x128xi32, #tpu.memory_space<vmem>> -> memref<1x128xi32, #tpu.memory_space<vmem>>
      %dma_wait3A_48 = tpu.memref_squeeze %dma_wait3A_47 : memref<1x128xi32, #tpu.memory_space<vmem>> -> memref<128xi32, #tpu.memory_space<vmem>>
      %dma_wait3A_49 = arith.constant 0 : i32
      %dma_wait3A_50 = arith.constant 0 : i32
      %dma_wait3A_51 = tpu.memref_slice %arg2[%dma_wait3A_49, %dma_wait3A_50] : memref<10240x128xf32, #tpu.memory_space<hbm>> -> memref<10240x128xf32, #tpu.memory_space<hbm>>
      tpu.wait_indirect_dma semaphore(%arg10 : memref<!tpu.dma_semaphore, #tpu.memory_space<semaphore_mem>>) src(%dma_wait3A_51 : memref<10240x128xf32, #tpu.memory_space<hbm>>) dst(%arg8 : memref<128x128xf32, #tpu.memory_space<vmem>>)
      "tpu.region"() ({
        %run_scoped3A = tpu.sem_alloc : memref<!tpu.dma_semaphore, #tpu.memory_space<semaphore_mem>>
        %dma_start3A_53 = arith.constant 0 : i32
        %dma_start3A_54 = tpu.memref_slice %arg7[%scan3A_40, %dma_start3A_53] : memref<79x128xi32, #tpu.memory_space<vmem>> -> memref<1x128xi32, #tpu.memory_space<vmem>>
        %dma_start3A_55 = tpu.memref_squeeze %dma_start3A_54 : memref<1x128xi32, #tpu.memory_space<vmem>> -> memref<128xi32, #tpu.memory_space<vmem>>
        %dma_start3A_56 = arith.constant 0 : i32
        %dma_start3A_57 = arith.constant 0 : i32
        %dma_start3A_58 = tpu.memref_slice %arg9[%dma_start3A_56, %dma_start3A_57] : memref<10240x128xf32, #tpu.memory_space<vmem_shared>> -> memref<10240x128xf32, #tpu.memory_space<vmem_shared>>
        tpu.enqueue_indirect_dma source(%arg8 : memref<128x128xf32, #tpu.memory_space<vmem>>) target(%dma_start3A_58 : memref<10240x128xf32, #tpu.memory_space<vmem_shared>>) offsets(%dma_start3A_55 : memref<128xi32, #tpu.memory_space<vmem>>) semaphore(%run_scoped3A : memref<!tpu.dma_semaphore, #tpu.memory_space<semaphore_mem>>) {add = true}
        %dma_wait3A_59 = arith.constant 0 : i32
        %dma_wait3A_60 = tpu.memref_slice %arg7[%scan3A_40, %dma_wait3A_59] : memref<79x128xi32, #tpu.memory_space<vmem>> -> memref<1x128xi32, #tpu.memory_space<vmem>>
        %dma_wait3A_61 = tpu.memref_squeeze %dma_wait3A_60 : memref<1x128xi32, #tpu.memory_space<vmem>> -> memref<128xi32, #tpu.memory_space<vmem>>
        %dma_wait3A_62 = arith.constant 0 : i32
        %dma_wait3A_63 = arith.constant 0 : i32
        %dma_wait3A_64 = tpu.memref_slice %arg9[%dma_wait3A_62, %dma_wait3A_63] : memref<10240x128xf32, #tpu.memory_space<vmem_shared>> -> memref<10240x128xf32, #tpu.memory_space<vmem_shared>>
        tpu.wait_indirect_dma semaphore(%run_scoped3A : memref<!tpu.dma_semaphore, #tpu.memory_space<semaphore_mem>>) src(%arg8 : memref<128x128xf32, #tpu.memory_space<vmem>>) dst(%dma_wait3A_64 : memref<10240x128xf32, #tpu.memory_space<vmem_shared>>)
        tpu.yield
      }) : () -> ()
      %scan3A_52 = arith.constant 0 : i32
      scf.yield %scan3A_52 : i32
    }
    %scan3A_34 = arith.constant 79 : i32
    %barrier3A_35 = arith.constant 0 : index
    tpu.barrier barrier_id(%barrier3A_35)
    %mul3A_36 = arith.constant 640 : i32
    %mul3A_37 = arith.muli %arg1, %mul3A_36 : i32
    %mul3A_38 = arith.constant 640 : i32
    %mul3A_39 = arith.muli %arg1, %mul3A_38 : i32
    "tpu.region"() ({
      %run_scoped3A = tpu.sem_alloc : memref<!tpu.dma_semaphore, #tpu.memory_space<semaphore_mem>>
      %dma_start3A = arith.constant 0 : i32
      %dma_start3A_40 = tpu.memref_slice %arg5[%arg0, %mul3A_39, %dma_start3A] : memref<2x10240x128xf32, #tpu.memory_space<hbm>> -> memref<1x640x128xf32, #tpu.memory_space<hbm>>
      %dma_start3A_41 = tpu.memref_squeeze %dma_start3A_40 : memref<1x640x128xf32, #tpu.memory_space<hbm>> -> memref<640x128xf32, #tpu.memory_space<hbm>>
      %dma_start3A_42 = arith.constant 0 : i32
      %dma_start3A_43 = tpu.memref_slice %arg9[%mul3A_37, %dma_start3A_42] : memref<10240x128xf32, #tpu.memory_space<vmem_shared>> -> memref<640x128xf32, #tpu.memory_space<vmem_shared>>
      tpu.enqueue_dma source(%dma_start3A_43 : memref<640x128xf32, #tpu.memory_space<vmem_shared>>) target(%dma_start3A_41 : memref<640x128xf32, #tpu.memory_space<hbm>>) target_semaphore(%run_scoped3A : memref<!tpu.dma_semaphore, #tpu.memory_space<semaphore_mem>>)
      %dma_wait3A = arith.constant 0 : i32
      %dma_wait3A_44 = tpu.memref_slice %arg5[%arg0, %mul3A_39, %dma_wait3A] : memref<2x10240x128xf32, #tpu.memory_space<hbm>> -> memref<1x640x128xf32, #tpu.memory_space<hbm>>
      %dma_wait3A_45 = tpu.memref_squeeze %dma_wait3A_44 : memref<1x640x128xf32, #tpu.memory_space<hbm>> -> memref<640x128xf32, #tpu.memory_space<hbm>>
      %dma_wait3A_46 = arith.constant 0 : i32
      %dma_wait3A_47 = tpu.memref_slice %arg9[%mul3A_37, %dma_wait3A_46] : memref<10240x128xf32, #tpu.memory_space<vmem_shared>> -> memref<640x128xf32, #tpu.memory_space<vmem_shared>>
      tpu.wait_dma2 semaphore(%run_scoped3A : memref<!tpu.dma_semaphore, #tpu.memory_space<semaphore_mem>>) src(%dma_wait3A_47 : memref<640x128xf32, #tpu.memory_space<vmem_shared>>) dst(%dma_wait3A_45 : memref<640x128xf32, #tpu.memory_space<hbm>>)
      tpu.yield
    }) : () -> ()
    return
  }
}

module attributes {stable_mosaic.version = 14 : i64} {
  func.func @_fc1_body(%arg0: i32, %arg1: memref<1024x128xf32, #tpu.memory_space<vmem>>, %arg2: memref<128x128xf32, #tpu.memory_space<vmem>>, %arg3: memref<1x128xf32, #tpu.memory_space<vmem>>, %arg4: memref<1024x128xf32, #tpu.memory_space<vmem>>) attributes {dimension_semantics = [#tpu.dimension_semantics<arbitrary>], iteration_bounds = array<i64: 10>, scalar_prefetch = 0 : i64, scratch_operands = 0 : i64, tpu.core_type = #tpu.core_type<tc>, window_params = [{transform_indices = @transform_0, window_bounds = array<i64: 1024, 128>}, {pipeline_mode = #tpu.pipeline_mode<synchronous>, transform_indices = @transform_1, window_bounds = array<i64: 128, 128>}, {pipeline_mode = #tpu.pipeline_mode<synchronous>, transform_indices = @transform_2, window_bounds = array<i64: 1, 128>}, {transform_indices = @transform_3, window_bounds = array<i64: 1024, 128>}]} {
    %get3A = arith.constant 0 : index
    %get3A_0 = arith.constant 0 : index
    %get3A_1 = vector.load %arg1[%get3A, %get3A_0] : memref<1024x128xf32, #tpu.memory_space<vmem>>, vector<1024x128xf32>
    %get3A_2 = arith.constant 0 : index
    %get3A_3 = arith.constant 0 : index
    %get3A_4 = vector.load %arg2[%get3A_2, %get3A_3] : memref<128x128xf32, #tpu.memory_space<vmem>>, vector<128x128xf32>
    %dot_general3A = arith.constant dense<0.000000e+00> : vector<1024x128xf32>
    %dot_general3A_5 = tpu.matmul %get3A_1, %get3A_4, %dot_general3A {dimension_numbers = #tpu.dot_dimension_numbers<[1], [0], [0], [1], [0, 0, 1, 1], [], []>, transpose_lhs_hint = false} : vector<1024x128xf32>, vector<128x128xf32>, vector<1024x128xf32> -> vector<1024x128xf32>
    %get3A_6 = arith.constant 0 : index
    %get3A_7 = arith.constant 0 : index
    %get3A_8 = vector.load %arg3[%get3A_6, %get3A_7] : memref<1x128xf32, #tpu.memory_space<vmem>>, vector<1x128xf32>
    %add3A = vector.broadcast %get3A_8 : vector<1x128xf32> to vector<1024x128xf32>
    %add3A_9 = arith.addf %dot_general3A_5, %add3A : vector<1024x128xf32>
    %ge3A = arith.constant 0.000000e+00 : f32
    %ge3A_10 = vector.broadcast %ge3A : f32 to vector<1024x128xf32>
    %ge3A_11 = arith.cmpf oge, %add3A_9, %ge3A_10 : vector<1024x128xf32>
    %mul3A = arith.constant 0.00999999977 : f32
    %mul3A_12 = vector.broadcast %mul3A : f32 to vector<1024x128xf32>
    %mul3A_13 = arith.mulf %mul3A_12, %add3A_9 : vector<1024x128xf32>
    %select_n3A = arith.select %ge3A_11, %add3A_9, %mul3A_13 : vector<1024x128xi1>, vector<1024x128xf32>
    %swap3A = arith.constant 0 : index
    %swap3A_14 = arith.constant 0 : index
    %swap3A_15 = vector.load %arg4[%swap3A, %swap3A_14] : memref<1024x128xf32, #tpu.memory_space<vmem>>, vector<1024x128xf32>
    tpu.vector_store %arg4[%swap3A, %swap3A_14], %select_n3A {strides = array<i32>} : memref<1024x128xf32, #tpu.memory_space<vmem>>, vector<1024x128xf32>,
    return
  }
  func.func @transform_0(%arg0: i32) -> (i32, i32) {
    %c0_i32 = arith.constant 0 : i32
    %c0_i32_0 = arith.constant 0 : i32
    return %arg0, %c0_i32 : i32, i32
  }
  func.func @transform_1(%arg0: i32) -> (i32, i32) {
    %c0_i32 = arith.constant 0 : i32
    %c0_i32_0 = arith.constant 0 : i32
    %c0_i32_1 = arith.constant 0 : i32
    return %c0_i32, %c0_i32_0 : i32, i32
  }
  func.func @transform_2(%arg0: i32) -> (i32, i32) {
    %c0_i32 = arith.constant 0 : i32
    %c0_i32_0 = arith.constant 0 : i32
    %c0_i32_1 = arith.constant 0 : i32
    return %c0_i32, %c0_i32_0 : i32, i32
  }
  func.func @transform_3(%arg0: i32) -> (i32, i32) {
    %c0_i32 = arith.constant 0 : i32
    %c0_i32_0 = arith.constant 0 : i32
    return %arg0, %c0_i32 : i32, i32
  }
}

module attributes {stable_mosaic.version = 14 : i64} {
  func.func @_combine_body(%arg0: i32, %arg1: memref<2x1024x128xf32, #tpu.memory_space<vmem>>, %arg2: memref<2x1024xf32, #tpu.memory_space<vmem>>, %arg3: memref<1024x128xf32, #tpu.memory_space<vmem>>, %arg4: memref<128x128xf32, #tpu.memory_space<vmem>>, %arg5: memref<1x128xf32, #tpu.memory_space<vmem>>, %arg6: memref<1024x128xf32, #tpu.memory_space<vmem>>) attributes {dimension_semantics = [#tpu.dimension_semantics<arbitrary>], iteration_bounds = array<i64: 10>, scalar_prefetch = 0 : i64, scratch_operands = 0 : i64, tpu.core_type = #tpu.core_type<tc>, window_params = [{transform_indices = @transform_0, window_bounds = array<i64: 2, 1024, 128>}, {transform_indices = @transform_1, window_bounds = array<i64: 2, 1024>}, {transform_indices = @transform_2, window_bounds = array<i64: 1024, 128>}, {pipeline_mode = #tpu.pipeline_mode<synchronous>, transform_indices = @transform_3, window_bounds = array<i64: 128, 128>}, {pipeline_mode = #tpu.pipeline_mode<synchronous>, transform_indices = @transform_4, window_bounds = array<i64: 1, 128>}, {transform_indices = @transform_5, window_bounds = array<i64: 1024, 128>}]} {
    %get3A = arith.constant 0 : index
    %get3A_0 = arith.constant 0 : index
    %get3A_1 = arith.constant 0 : index
    %get3A_2 = vector.load %arg1[%get3A, %get3A_0, %get3A_1] : memref<2x1024x128xf32, #tpu.memory_space<vmem>>, vector<1x1024x128xf32>
    %get3A_3 = vector.shape_cast %get3A_2 : vector<1x1024x128xf32> to vector<1024x128xf32>
    %get3A_4 = arith.constant 1 : index
    %get3A_5 = arith.constant 0 : index
    %get3A_6 = arith.constant 0 : index
    %get3A_7 = vector.load %arg1[%get3A_4, %get3A_5, %get3A_6] : memref<2x1024x128xf32, #tpu.memory_space<vmem>>, vector<1x1024x128xf32>
    %get3A_8 = vector.shape_cast %get3A_7 : vector<1x1024x128xf32> to vector<1024x128xf32>
    %add3A = arith.addf %get3A_3, %get3A_8 : vector<1024x128xf32>
    %get3A_9 = arith.constant 0 : index
    %get3A_10 = arith.constant 0 : index
    %get3A_11 = vector.load %arg2[%get3A_9, %get3A_10] : memref<2x1024xf32, #tpu.memory_space<vmem>>, vector<1x1024xf32>
    %get3A_12 = vector.shape_cast %get3A_11 : vector<1x1024xf32> to vector<1024xf32>
    %get3A_13 = arith.constant 1 : index
    %get3A_14 = arith.constant 0 : index
    %get3A_15 = vector.load %arg2[%get3A_13, %get3A_14] : memref<2x1024xf32, #tpu.memory_space<vmem>>, vector<1x1024xf32>
    %get3A_16 = vector.shape_cast %get3A_15 : vector<1x1024xf32> to vector<1024xf32>
    %add3A_17 = arith.addf %get3A_12, %get3A_16 : vector<1024xf32>
    %reshape3A = vector.shape_cast %add3A_17 : vector<1024xf32> to vector<1024x1xf32>
    %gt3A = arith.constant 0.000000e+00 : f32
    %gt3A_18 = vector.broadcast %gt3A : f32 to vector<1024x1xf32>
    %gt3A_19 = arith.cmpf ogt, %reshape3A, %gt3A_18 : vector<1024x1xf32>
    %max3A = arith.constant 1.000000e+00 : f32
    %max3A_20 = vector.broadcast %max3A : f32 to vector<1024x1xf32>
    %max3A_21 = arith.maximumf %reshape3A, %max3A_20 : vector<1024x1xf32>
    %div3A = vector.broadcast %max3A_21 : vector<1024x1xf32> to vector<1024x128xf32>
    %div3A_22 = arith.divf %add3A, %div3A : vector<1024x128xf32>
    %jit3A = arith.constant 0.000000e+00 : f32
    %broadcast_in_dim3A = vector.shape_cast %gt3A_19 : vector<1024x1xi1> to vector<1024x1xi1>
    %broadcast_in_dim3A_23 = vector.broadcast %broadcast_in_dim3A : vector<1024x1xi1> to vector<1024x128xi1>
    %broadcast_in_dim3A_24 = vector.broadcast %jit3A : f32 to vector<1024x128xf32>
    %select_n3A = arith.select %broadcast_in_dim3A_23, %div3A_22, %broadcast_in_dim3A_24 : vector<1024x128xi1>, vector<1024x128xf32>
    %get3A_25 = arith.constant 0 : index
    %get3A_26 = arith.constant 0 : index
    %get3A_27 = vector.load %arg4[%get3A_25, %get3A_26] : memref<128x128xf32, #tpu.memory_space<vmem>>, vector<128x128xf32>
    %dot_general3A = arith.constant dense<0.000000e+00> : vector<1024x128xf32>
    %dot_general3A_28 = tpu.matmul %select_n3A, %get3A_27, %dot_general3A {dimension_numbers = #tpu.dot_dimension_numbers<[1], [0], [0], [1], [0, 0, 1, 1], [], []>, transpose_lhs_hint = false} : vector<1024x128xf32>, vector<128x128xf32>, vector<1024x128xf32> -> vector<1024x128xf32>
    %get3A_29 = arith.constant 0 : index
    %get3A_30 = arith.constant 0 : index
    %get3A_31 = vector.load %arg5[%get3A_29, %get3A_30] : memref<1x128xf32, #tpu.memory_space<vmem>>, vector<1x128xf32>
    %add3A_32 = vector.broadcast %get3A_31 : vector<1x128xf32> to vector<1024x128xf32>
    %add3A_33 = arith.addf %dot_general3A_28, %add3A_32 : vector<1024x128xf32>
    %get3A_34 = arith.constant 0 : index
    %get3A_35 = arith.constant 0 : index
    %get3A_36 = vector.load %arg3[%get3A_34, %get3A_35] : memref<1024x128xf32, #tpu.memory_space<vmem>>, vector<1024x128xf32>
    %add3A_37 = arith.addf %add3A_33, %get3A_36 : vector<1024x128xf32>
    %ge3A = arith.constant 0.000000e+00 : f32
    %ge3A_38 = vector.broadcast %ge3A : f32 to vector<1024x128xf32>
    %ge3A_39 = arith.cmpf oge, %add3A_37, %ge3A_38 : vector<1024x128xf32>
    %mul3A = arith.constant 0.00999999977 : f32
    %mul3A_40 = vector.broadcast %mul3A : f32 to vector<1024x128xf32>
    %mul3A_41 = arith.mulf %mul3A_40, %add3A_37 : vector<1024x128xf32>
    %select_n3A_42 = arith.select %ge3A_39, %add3A_37, %mul3A_41 : vector<1024x128xi1>, vector<1024x128xf32>
    %swap3A = arith.constant 0 : index
    %swap3A_43 = arith.constant 0 : index
    %swap3A_44 = vector.load %arg6[%swap3A, %swap3A_43] : memref<1024x128xf32, #tpu.memory_space<vmem>>, vector<1024x128xf32>
    tpu.vector_store %arg6[%swap3A, %swap3A_43], %select_n3A_42 {strides = array<i32>} : memref<1024x128xf32, #tpu.memory_space<vmem>>, vector<1024x128xf32>,
    return
  }
  func.func @transform_0(%arg0: i32) -> (i32, i32, i32) {
    %c0_i32 = arith.constant 0 : i32
    %c0_i32_0 = arith.constant 0 : i32
    %c0_i32_1 = arith.constant 0 : i32
    return %c0_i32, %arg0, %c0_i32_0 : i32, i32, i32
  }
  func.func @transform_1(%arg0: i32) -> (i32, i32) {
    %c0_i32 = arith.constant 0 : i32
    %c0_i32_0 = arith.constant 0 : i32
    return %c0_i32, %arg0 : i32, i32
  }
  func.func @transform_2(%arg0: i32) -> (i32, i32) {
    %c0_i32 = arith.constant 0 : i32
    %c0_i32_0 = arith.constant 0 : i32
    return %arg0, %c0_i32 : i32, i32
  }
  func.func @transform_3(%arg0: i32) -> (i32, i32) {
    %c0_i32 = arith.constant 0 : i32
    %c0_i32_0 = arith.constant 0 : i32
    %c0_i32_1 = arith.constant 0 : i32
    return %c0_i32, %c0_i32_0 : i32, i32
  }
  func.func @transform_4(%arg0: i32) -> (i32, i32) {
    %c0_i32 = arith.constant 0 : i32
    %c0_i32_0 = arith.constant 0 : i32
    %c0_i32_1 = arith.constant 0 : i32
    return %c0_i32, %c0_i32_0 : i32, i32
  }
  func.func @transform_5(%arg0: i32) -> (i32, i32) {
    %c0_i32 = arith.constant 0 : i32
    %c0_i32_0 = arith.constant 0 : i32
    return %arg0, %c0_i32 : i32, i32
  }
}

</mosaic_0001>

<sc_bundles>
// kernel: body.8.cloned.1.call-start
scs
__scs_entry_jumppad:
0x0: {  	(pc) =	sbr.rel $0x88, $3  }
0x1: {  	(tag) =	ssettag $0x0;
	lr =	simm.s32 $0x1  }
0x2: {  	[smem:$0x3F9A] =	sst lr;
	_ =	strace $0xD0000000  }
0x3: {  	_ = 	snop  }
0x4: {  	_ = 	snop  }
0x5: {  	_ = 	snop  }
0x6: {  	_ = 	snop  }
0x7: {  	_ = 	snop  }
__scs_overlays_trampoline_lowered:
0x8: {  	[smem:$0x3FA9] =	sst s0  }
0x9: {  	[smem:$0x3FAA] =	sst s1  }
0xa: {  	[smem:$0x3FAB] =	sst s2  }
0xb: {  	[smem:$0x3FAC] =	sst s3  }
0xc: {  	[smem:$0x3FAD] =	sst s4  }
0xd: {  	[smem:$0x3FAE] =	sst s5  }
0xe: {  	[smem:$0x3FAF] =	sst s6  }
0xf: {  	[smem:$0x3FB0] =	sst s7  }
0x10: {  	[smem:$0x3FB1] =	sst s8  }
0x11: {  	[smem:$0x3FB2] =	sst s9;
	s0 =	simm.s32 @!p0 $0x0  }
0x12: {  	s1 =	sld [smem:$0x3F98];
	s0 =	simm.s32 @p0 $0x1  }
0x13: {  	[smem:$0x3FB3] =	sst s0;
	s0 =	simm.s32 @!p1 $0x0  }
0x14: {  	s2 =	sld [smem:$0x3F97];
	s0 =	simm.s32 @p1 $0x1  }
0x15: {  	[smem:$0x3FB4] =	sst s0;
	s0 =	simm.s32 @!p2 $0x0  }
0x16: {  	s3 =	sld [smem:$0x3FDB];
	s0 =	simm.s32 @p2 $0x1  }
0x17: {  	s4 =	simm.s32 $0x1BF5;
	[smem:$0x3FB6] =	sst s0  }
0x18: {  	s0 =	sld [smem:$0x3F99];
	_ =	swait.ge [sflag:s4], $0x0  }
0x19: {  	s7 =	sld [smem:$0x3F9A]  }
0x1a: {  	s8 =	sadd.s32 $0xFFFFE003, lr  }
0x1b: {  	s9 =	sadd.s32 $0xFFFFFEF7, lr;
	s5 =	simm.s32 $0xFFFFFFFF;
	p2 =	slt.u32 s8, $0xFFFFF086  }
0x1c: {  	p1 =	slt.u32 s9, $0xF7A;
	s5 =	simm.s32 @!p2 $0x0  }
0x1d: {  	s5 =	simm.s32 @p1 $0x1;
	p0 =	seq.s32 s7, s2  }
0x1e: {  	s7 =	smul.u32 @!p0 $0xF7A, s2;
	p2 =	seq.s32 @!p0 s5, $0x0  }
0x1f: {  	s9 =	smul.u32 $0xF7A, s1;
	s8 =	simm.s32 @!p0 $0x1BF5;
	p2 =	por !p2, p0  }
0x20: {  	[sflag:s8] =	ssyncset.s32 @!p0 $0xFFFFF086;
	s6 =	sadd.s32 @!p0 s3, s7;
	s7 =	simm.s32 @!p0 $0x108  }
0x21: {  	s3 =	sadd.s32 s3, s9;
	s6 =	sadd.s32 @!p0 $0x88, s6;
	s7 =	simm.s32 @p2 $0x1082  }
0x22: {  	[simem:s7], [sflag:s8] =	dma.local @!p0 [hbm:s6], $0xF7A  }
0x23: {  	s9 =	sor.u32 $0xD0000000, s2;
	s6 =	simm.s32 $0x108;
	_ =	swait.ge @!p0 [sflag:s8], $0x0  }
0x24: {  	s3 =	sadd.s32 $0x88, s3;
	s6 =	simm.s32 @!p1 $0x1082;
	[sflag:s4] =	ssyncset.s32 $0xFFFFF086  }
0x25: {  	[simem:s6], [sflag:s4] =	dma.local [hbm:s3], $0xF7A  }
0x26: {  	[smem:$0x3F9A] =	sst s1;
	(tag) =	ssettag s2;
	_ =	strace s9  }
0x27: {  	s1 =	sld [smem:$0x3FAA]  }
0x28: {  	s2 =	sld [smem:$0x3FAB]  }
0x29: {  	s4 =	sld [smem:$0x3FAD]  }
0x2a: {  	p0 =	seq.s32 s5, $0x0;
	s5 =	sld [smem:$0x3FAE]  }
0x2b: {  	s6 =	sld [smem:$0x3FAF]  }
0x2c: {  	s7 =	sld [smem:$0x3FB0]  }
0x2d: {  	s3 =	simm.s32 $0x108;
	s8 =	sld [smem:$0x3FB1]  }
0x2e: {  	s3 =	simm.s32 @!p0 $0x1082;
	s9 =	sld [smem:$0x3FB2]  }
0x2f: {  	lr =	sadd.s32 s0, s3;
	s0 =	sld [smem:$0x3FA9]  }
0x30: {  	s3 =	sld [smem:$0x3FAC]  }
0x31: {  	[smem:$0x3FB5] =	sst s10  }
0x32: {  	s10 =	sld [smem:$0x3FB3];
	_ =	sdelay $0x3  }
0x33: {  	p0 =	seq.s32 s10, $0x1;
	s10 =	sld [smem:$0x3FB5];
	_ =	sdelay $0x3  }
0x34: {  	[smem:$0x3FB5] =	sst s10  }
0x35: {  	s10 =	sld [smem:$0x3FB4];
	_ =	sdelay $0x3  }
0x36: {  	p1 =	seq.s32 s10, $0x1;
	s10 =	sld [smem:$0x3FB5];
	_ =	sdelay $0x3  }
0x37: {  	[smem:$0x3FB5] =	sst s10  }
0x38: {  	s10 =	sld [smem:$0x3FB6]  }
0x39: {  	_ = 	snop;
	(pc) =	sbr.ind lr, $3  }
0x3a: {  	_ = 	snop  }
0x3b: {  	_ = 	snop  }
0x3c: {  	p2 =	seq.s32 s10, $0x1;
	s10 =	sld [smem:$0x3FB5]  }
0x3d: {  	_ =	shalt  }
0x3e: {  	_ =	shalt  }
0x3f: {  	_ =	shalt  }
0x40: {  	_ =	shalt  }
0x41: {  	_ =	shalt  }
0x42: {  	_ =	shalt  }
0x43: {  	_ =	shalt  }
0x44: {  	_ =	shalt  }
0x45: {  	_ =	shalt  }
0x46: {  	_ =	shalt  }
0x47: {  	_ =	shalt  }
0x48: {  	_ =	shalt  }
0x49: {  	_ =	shalt  }
0x4a: {  	_ =	shalt  }
0x4b: {  	_ =	shalt  }
0x4c: {  	_ =	shalt  }
0x4d: {  	_ =	shalt  }
0x4e: {  	_ =	shalt  }
0x4f: {  	_ =	shalt  }
0x50: {  	_ =	shalt  }
0x51: {  	_ =	shalt  }
0x52: {  	_ =	shalt  }
0x53: {  	_ =	shalt  }
0x54: {  	_ =	shalt  }
0x55: {  	_ =	shalt  }
0x56: {  	_ =	shalt  }
0x57: {  	_ =	shalt  }
0x58: {  	_ =	shalt  }
0x59: {  	_ =	shalt  }
0x5a: {  	_ =	shalt  }
0x5b: {  	_ =	shalt  }
0x5c: {  	_ =	shalt  }
0x5d: {  	_ =	shalt  }
0x5e: {  	_ =	shalt  }
0x5f: {  	_ =	shalt  }
0x60: {  	_ =	shalt  }
0x61: {  	_ =	shalt  }
0x62: {  	_ =	shalt  }
0x63: {  	_ =	shalt  }
0x64: {  	_ =	shalt  }
0x65: {  	_ =	shalt  }
0x66: {  	_ =	shalt  }
0x67: {  	_ =	shalt  }
0x68: {  	_ =	shalt  }
0x69: {  	_ =	shalt  }
0x6a: {  	_ =	shalt  }
0x6b: {  	_ =	shalt  }
0x6c: {  	_ =	shalt  }
0x6d: {  	_ =	shalt  }
0x6e: {  	_ =	shalt  }
0x6f: {  	_ =	shalt  }
0x70: {  	_ =	shalt  }
0x71: {  	_ =	shalt  }
0x72: {  	_ =	shalt  }
0x73: {  	_ =	shalt  }
0x74: {  	_ =	shalt  }
0x75: {  	_ =	shalt  }
0x76: {  	_ =	shalt  }
0x77: {  	_ =	shalt  }
0x78: {  	_ =	shalt  }
0x79: {  	_ =	shalt  }
0x7a: {  	_ =	shalt  }
0x7b: {  	_ =	shalt  }
0x7c: {  	_ =	shalt  }
0x7d: {  	_ =	shalt  }
0x7e: {  	_ =	shalt  }
0x7f: {  	_ =	shalt  }
0x80: {  	_ =	shalt  }
0x81: {  	_ =	shalt  }
0x82: {  	_ =	shalt  }
0x83: {  	_ =	shalt  }
0x84: {  	_ =	shalt  }
0x85: {  	_ =	shalt  }
0x86: {  	_ =	shalt  }
0x87: {  	_ =	shalt  }
.Lfunc_end0:
.L_simem_size_0:
called_computation_lowered:
.L_overlay_start_0:
0x88: {  	s2 =	sld [smem:$0x3FD9]  }
0x89: {  	s3 =	sld [smem:$0x3FFE];
	_ =	sdelay $0x1  }
0x8a: {  	s1 =	srdreg.scid  }
0x8b: {  	s0 =	sand.u32 $0x1, s1  }
0x8c: {  	s17 =	sshll.u32 s0, $0xA;
	s2 =	sadd.s32 s3, s2  }
0x8d: {  	s2 =	sadd.s32 s2, s17  }
0x8e: {  	[smem:$0x3FC1] =	sst s2  }
0x8f: {  	_ = 	snop  }
0x90: {  	s2 =	sld [smem:$0x3FD0];
	(tm) =	ssettm $0x1  }
0x91: {  	s18 =	sld [smem:$0x3FFB];
	_ =	sdelay $0x3  }
0x92: {  	_ =	strace s18  }
0x93: {  	s3 =	sld [smem:$0x3FFC];
	_ =	sdelay $0x3  }
0x94: {  	_ =	strace s3  }
0x95: {  	s3 =	sld [smem:$0x3FFD];
	_ =	sdelay $0x3  }
0x96: {  	_ =	strace s3  }
0x97: {  	_ =	strace $0x8FFFFFFF  }
0x98: {  	s19 =	sld [smem:$0x3FDB];
	_ =	sdelay $0x1  }
0x99: {  	s4 =	simm.s32 $_scs_section_size  }
0x9a: {  	s5 =	simm.s32 $_size__tile_overlayer_lowered;
	s6 =	simm.s32 $_tile_overlayer_lowered  }
0x9b: {  	s22 =	simm.s32 $0x1BFF;
	s21 =	sshll.u32 s6, $0x1;
	s3 =	sadd.s32 s4, s19  }
0x9c: {  	s7 =	simm.s32 $0x0;
	s20 =	sshll.u32 s5, $0x1;
	s5 =	sadd.s32 s21, s3  }
0x9d: {  	[timem:s7], [sflag:s22] =	dma.local [hbm:s5], s20  }
0x9e: {  	_ =	swait.ge [sflag:s22], s20  }
0x9f: {  	s4 =	ssub.s32 $0x0, s20;
	[sflag:s22] =	ssyncset.done $0x0  }
0xa0: {  	[sflag:s22] =	ssyncadd.s32 s4;
	_ =	sdelay $0x1  }
0xa1: {  	s23 =	simm.s32 $0x1B8B  }
0xa2: {  	_ =	swait.ge [sflag:s23], $0x1  }
0xa3: {  	[sflag:s23] =	ssyncset.done $0x0  }
0xa4: {  	s25 =	simm.s32 $0x1B8E;
	s24 =	sld [smem:$0x3FFE];
	[sflag:s23] =	ssyncadd.s32 $0xFFFFFFFF  }
0xa5: {  	s26 =	simm.s32 $execute0_lowered;
	[smem:$0x3FD2] =	sst s25  }
0xa6: {  	s5 =	sshll.u32 s26, $0x1;
	_ =	strace $0x80000049;
	[dreg:$0x1] =	wrdreg $0xFFFFFFFF  }
0xa7: {  	s28 =	simm.s32 $_size_execute0_lowered;
	s3 =	sadd.s32 s3, s5;
	[dreg:$0x0] =	wrdreg $0x0  }
0xa8: {  	s5 =	sshll.u32 s28, $0x1;
	[dreg:$0x2] =	wrdreg s3  }
0xa9: {  	[dreg:$0x3] =	wrdreg s5  }
0xaa: {  	[dreg:$0x4] =	wrdreg $0xC0  }
0xab: {  	_ =	task [dreg:s7], $0x5FFFF  }
0xac: {  	[dreg:$0x1] =	wrdreg $0xFFFFFFFF  }
0xad: {  	[dreg:$0x0] =	wrdreg $0x60  }
0xae: {  	[dreg:$0x2] =	wrdreg s24  }
0xaf: {  	[dreg:$0x3] =	wrdreg s2  }
0xb0: {  	[dreg:$0x4] =	wrdreg $0x90000  }
0xb1: {  	[dreg:$0x5] =	wrdreg $0x9  }
0xb2: {  	_ =	task.clear_ibuf [dreg:s7], $0x6FFFF;
	_ =	strace $0x90000049  }
0xb3: {  	s29 =	simm.s32 $0x9;
	_ =	strace $0x8000004B  }
0xb4: {  	_ =	swait.ge [sflag:s29], $0x1  }
0xb5: {  	[sflag:s29] =	ssyncadd.s32 $0xFFFFFFFF  }
0xb6: {  	_ =	strace $0x9000004B  }
0xb7: {  	_ =	sfence  }
0xb8: {  	s30 =	sld [smem:$0x0];
	_ =	sdelay $0x2  }
0xb9: {  	s31 =	sshll.u32 s1, $0xD;
	s1 =	sshrl.u32 s1, $0x2  }
0xba: {  	s3 =	sand.u32 $0x4000, s31;
	s1 =	sadd.s32 s1, s30  }
0xbb: {  	s0 =	sor.u32 s3, s0;
	s1 =	sshll.u32 s1, $0x11  }
0xbc: {  	s0 =	sor.u32 s1, s0  }
0xbd: {  	s0 =	sadd.s32 $0x8F2B, s0  }
0xbe: {  	[sflag:s0] =	ssyncadd.remote.s32 $0x1  }
0xbf: {  	_ =	sfence.sel $0xFFFF  }
0xc0: {  	[dreg:$0x0] =	wrdreg $0xFFFFFFFF;
	(pc) =	sbr.abs _section_cstart, $3  }
0xc1: {  	[dreg:$0x1] =	wrdreg $0xFFFFFFFF  }
0xc2: {  	_ =	task.clear_ibuf [dreg:s7], $0x2FFFF;
	_ =	strace $0x9FFFFFFF  }
0xc3: {  	(tm) =	ssettm $0x7FFFFFFF  }
tec
execute0_lowered:
.L_overlay_start_1:
0x0: {  	(tag) =	ssettag $0x1  }
0x1: {  	s6 =	rddreg [dreg:$0x0]  }
0x2: {  	s0 =	srdreg.scid;
	s11 =	rddreg [dreg:$0x1]  }
0x3: {  	s2 =	rddreg [dreg:$0x2];
	s3 =	simm.s32 $0x0;
	s15 =	simm.s32 $0x2  }
0x4: {  	s16 =	simm.s32 $0x2800;
	s17 =	simm.s32 $0x80;
	s5 =	sand.u32 $0x1, s0  }
0x5: {  	s18 =	simm.s32 $0x1;
	s0 =	stileid.u32;
	s7 =	smul.u32 $0x140000, s5  }
0x6: {  	[smem:$0x7FF] =	sst s3;
	s4 =	sadd.s32 $0xCE00, s6;
	s8 =	smul.u32 $0x14000, s0  }
0x7: {  	s1 =	sshll.u32 s5, $0x4;
	s9 =	smul.u32 $0x50000, s0;
	s29 =	ssub.s32 $0x2, s5  }
0x8: {  	s19 =	sshll.u32 s0, $0x6;
	s1 =	sor.u32 s0, s1;
	s31 =	sshrl.u32 s29, $0x1  }
0x9: {  	s19 =	sor.u32 $0x1C02, s19;
	s12 =	smul.u32 $0x500, s1;
	s1 =	rddreg [dreg:$0x3]  }
0xa: {  	_ =	strace $0x8000004A;
	s7 =	sadd.s32 s8, s7;
	s30 =	sshrl.u32 s9, $0x2  }
0xb: {  	s14 =	ssub.s32 s29, s31;
	s7 =	sshrl.u32 s7, $0x3;
	s5 =	sadd.s32 s30, s2  }
0xc: {  	s10 =	sadd.s32 s12, s6;
	s13 =	sadd.s32 s7, s6;
	s6 =	sadd.s32 $0x4000, s5  }
0xd: {  	s7 =	sadd.s32 $0x8000, s5;
	s8 =	sadd.s32 $0xC000, s5;
	s9 =	sadd.s32 $0x10000, s5  }
0xe: {  	s11 =	sadd.s32 s11, s12;
	s20 =	sshrl.u32 s5, $0x3;
	s10 =	sadd.s32 $0x2E00, s10  }
0xf: {  	v0 =	vimm.f32 $0.0e+00;
	s12 =	sadd.s32 $0x34E00, s13;
	s13 =	smax.u32 s14, $0x1;
	s14 =	simm.s32 $0x5000  }
.LBB2_1:
0x10: {  	s21 =	simm.s32 $0x0;
	s22 =	simm.s32 $0x200  }
.LBB2_2:
0x11: {  	p0 =	sne.s32 s22, $0xFE00;
	[tilespmem:s21+$0x5070] =	vst v0  }
0x12: {  	[tilespmem:s21+$0x5000] =	vst v0  }
0x13: {  	[tilespmem:s21+$0x5010] =	vst v0  }
.Ltmp0:
0x14: {  	[tilespmem:s21+$0x5020] =	vst v0;
	(pc) =	sbr.rel @p0 .LBB2_2-.Ltmp0, $4  }
0x15: {  	[tilespmem:s21+$0x5030] =	vst v0  }
0x16: {  	[tilespmem:s21+$0x5040] =	vst v0  }
0x17: {  	[tilespmem:s21+$0x5050] =	vst v0  }
0x18: {  	[tilespmem:s21+$0x5060] =	vst v0;
	s21 =	sshra.s32 s22, $0x2;
	s22 =	sadd.s32 $0x200, s22  }
0x19: {  	[tilespmem:s21+$0x5070] =	vst v0  }
0x1a: {  	[tilespmem:s21+$0x5000] =	vst v0  }
0x1b: {  	[tilespmem:s21+$0x5010] =	vst v0  }
0x1c: {  	[tilespmem:s21+$0x5020] =	vst v0  }
0x1d: {  	[tilespmem:s21+$0x5030] =	vst v0  }
0x1e: {  	[tilespmem:s21+$0x5040] =	vst v0  }
0x1f: {  	[tilespmem:s21+$0x5050] =	vst v0  }
0x20: {  	[tilespmem:s21+$0x5060] =	vst v0  }
0x21: {  	[spmem:s5] =	stream.linear.scatter [tilespmem:s14], [sflag:$0x2], $0x4000, $0x38;
	[tilespmem:$0x1D000] =	vst v63  }
0x22: {  	_ =	swait.ge [sflag:s15], $0x4000  }
0x23: {  	[sflag:s15] =	ssyncset.done $0x0  }
0x24: {  	[sflag:s15] =	ssyncadd.s32 $0xFFFFC000  }
0x25: {  	[spmem:s6] =	stream.linear.scatter [tilespmem:s14], [sflag:$0x2], $0x4000, $0x38;
	[tilespmem:$0x1D000] =	vst v63  }
0x26: {  	_ =	swait.ge [sflag:s15], $0x4000  }
0x27: {  	[sflag:s15] =	ssyncset.done $0x0  }
0x28: {  	[sflag:s15] =	ssyncadd.s32 $0xFFFFC000  }
0x29: {  	[spmem:s7] =	stream.linear.scatter [tilespmem:s14], [sflag:$0x2], $0x4000, $0x38;
	[tilespmem:$0x1D000] =	vst v63  }
0x2a: {  	_ =	swait.ge [sflag:s15], $0x4000  }
0x2b: {  	[sflag:s15] =	ssyncset.done $0x0  }
0x2c: {  	[sflag:s15] =	ssyncadd.s32 $0xFFFFC000  }
0x2d: {  	[spmem:s8] =	stream.linear.scatter [tilespmem:s14], [sflag:$0x2], $0x4000, $0x38;
	[tilespmem:$0x1D000] =	vst v63  }
0x2e: {  	_ =	swait.ge [sflag:s15], $0x4000  }
0x2f: {  	[sflag:s15] =	ssyncset.done $0x0  }
0x30: {  	[sflag:s15] =	ssyncadd.s32 $0xFFFFC000  }
0x31: {  	[spmem:s9] =	stream.linear.scatter [tilespmem:s14], [sflag:$0x2], $0x4000, $0x38;
	[tilespmem:$0x1D000] =	vst v63  }
0x32: {  	_ =	swait.ge [sflag:s15], $0x4000  }
0x33: {  	[sflag:s15] =	ssyncset.done $0x0  }
0x34: {  	[sflag:s15] =	ssyncadd.s32 $0xFFFFC000  }
0x35: {  	s29 =	simm.s32 $0x0;
	[bflag:$0x0] =	sbarrier.arrive $0xFFFF  }
0x36: {  	[tilespmem:s29], [sflag:$0x2] =	stream.linear.gather [hbm4b:s10+s29], $0x2780, $0x38;
	[tilespmem:$0x1D000] =	vst v63  }
0x37: {  	_ =	swait.ge [sflag:s15], $0x2780  }
0x38: {  	[sflag:s15] =	ssyncset.done $0x0  }
0x39: {  	[sflag:s15] =	ssyncadd.s32 $0xFFFFD880  }
0x3a: {  	[tilespmem:s16], [sflag:$0x2] =	stream.linear.gather [hbm4b:s11+s29], $0x2780, $0x38;
	[tilespmem:$0x1D000] =	vst v63  }
0x3b: {  	_ =	swait.ge [sflag:s15], $0x2780  }
0x3c: {  	[sflag:s15] =	ssyncset.done $0x0  }
0x3d: {  	s30 =	simm.s32 $0x0;
	[sflag:s15] =	ssyncadd.s32 $0xFFFFD880  }
0x3e: {  	[tilespmem:s14], [sflag:$0x1] =	stream.indirect.gather [hbm4b:s4+s17], $0x80, s30, s17, $0xb8;
	[tilespmem:$0x1D000] =	vst v63  }
0x3f: {  	_ =	swait.ge [sflag:s18], $0x4000  }
0x40: {  	[sflag:s18] =	ssyncset.done $0x0  }
0x41: {  	s31 =	simm.s32 $0x2800;
	[sflag:s18] =	ssyncadd.s32 $0xFFFFC000  }
0x42: {  	[spmem:s2] =	stream.indirect.scatter.add.f32 [tilespmem:s14], [sflag:$0x2], $0x80, s31, s17, $0xb8;
	[tilespmem:$0x1D000] =	vst v63  }
0x43: {  	_ =	swait.ge [sflag:s15], $0x4000  }
0x44: {  	s21 =	simm.s32 $0x200;
	s22 =	simm.s32 $0x400;
	[sflag:s15] =	ssyncset.done $0x0  }
.LBB2_4:
0x45: {  	s23 =	sshra.s32 s21, $0x2  }
0x46: {  	[sflag:s15] =	ssyncadd.s32 $0xFFFFC000;
	s21 =	smov.u32 s22;
	s24 =	sadd.s32 $0x200, s22  }
0x47: {  	[tilespmem:s14], [sflag:$0x1] =	stream.indirect.gather [hbm4b:s4+s17], $0x80, s23, s17, $0xb8;
	[tilespmem:$0x1D000] =	vst v63  }
0x48: {  	p0 =	sne.s32 s22, $0x9C00;
	_ =	swait.ge [sflag:s18], $0x4000  }
.Ltmp1:
0x49: {  	[sflag:s18] =	ssyncset.done $0x0;
	(pc) =	sbr.rel @p0 .LBB2_4-.Ltmp1, $4  }
0x4a: {  	s22 =	sadd.s32 $0x2800, s23;
	[sflag:s18] =	ssyncadd.s32 $0xFFFFC000  }
0x4b: {  	[spmem:s2] =	stream.indirect.scatter.add.f32 [tilespmem:s14], [sflag:$0x2], $0x80, s22, s17, $0xb8;
	[tilespmem:$0x1D000] =	vst v63  }
0x4c: {  	_ =	swait.ge [sflag:s15], $0x4000  }
0x4d: {  	s22 =	smov.u32 s24;
	[sflag:s15] =	ssyncset.done $0x0  }
0x4e: {  	s21 =	sshra.s32 s21, $0x2;
	[sflag:s15] =	ssyncadd.s32 $0xFFFFC000  }
0x4f: {  	[tilespmem:s14], [sflag:$0x1] =	stream.indirect.gather [hbm4b:s4+s17], $0x80, s21, s17, $0xb8;
	[tilespmem:$0x1D000] =	vst v63  }
0x50: {  	_ =	swait.ge [sflag:s18], $0x4000  }
0x51: {  	[sflag:s18] =	ssyncset.done $0x0  }
0x52: {  	s21 =	sadd.s32 $0x2800, s21;
	[sflag:s18] =	ssyncadd.s32 $0xFFFFC000  }
0x53: {  	[spmem:s2] =	stream.indirect.scatter.add.f32 [tilespmem:s14], [sflag:$0x2], $0x80, s21, s17, $0xb8;
	[tilespmem:$0x1D000] =	vst v63  }
0x54: {  	_ =	swait.ge [sflag:s15], $0x4000  }
0x55: {  	s3 =	sadd.s32 $0x1, s3;
	[sflag:s15] =	ssyncset.done $0x0  }
0x56: {  	p0 =	sne.s32 s3, s13;
	[sflag:s15] =	ssyncadd.s32 $0xFFFFC000  }
.Ltmp2:
0x57: {  	[bflag:$0x0] =	sbarrier.arrive $0xFFFF;
	(pc) =	sbr.rel @p0 .LBB2_1-.Ltmp2, $4  }
0x58: {  	[hbm:s12], [sflag:s19] =	dma.local [spmem:s20], $0x2800  }
0x59: {  	_ =	swait.ge [sflag:s15], $0x2800  }
0x5a: {  	[sflag:s15] =	ssyncset.done $0x0  }
0x5b: {  	[sflag:s15] =	ssyncadd.s32 $0xFFFFD800  }
0x5c: {  	_ =	sfence.sel $0x180000  }
0x5d: {  	[bflag:$0x0] =	sbarrier.arrive $0xFFFF  }
0x5e: {  	p0 =	sne.s32 s0, $0x0;
	_ =	strace $0x9000004A  }
0x5f: {  	s0 =	sadd.s32 @!p0 $0x100000, s1;
	[bflag:$0x2] =	sbarrier.arrive $0xFFFF  }
0x60: {  	[sflag:s0] =	ssyncadd.tile.s32 @!p0 $0x1;
	_ =	shalt  }
.Lfunc_end2:
_tile_overlayer_lowered:
.L_overlay_start_2:
0x61: {  	(tag) =	ssettag $0x2  }
0x62: {  	s0 =	rddreg [dreg:$0x0];
	s2 =	stileid.u32  }
0x63: {  	s1 =	rddreg [dreg:$0x1];
	p0 =	sne.s32 s2, $0x0  }
0x64: {  	s3 =	rddreg [dreg:$0x2];
	[bflag:$0x3] =	sbarrier.arrive $0xFFFF;
	s2 =	simm.s32 @!p0 $0x1C02  }
0x65: {  	[timem:s3], [sflag:s2] =	dma.local @!p0 [hbm:s0], s1  }
0x66: {  	s0 =	simm.s32 @!p0 $0x2  }
0x67: {  	_ =	swait.ge @!p0 [sflag:s0], s1  }
0x68: {  	s1 =	ssub.s32 @!p0 $0x0, s1;
	[sflag:s0] =	ssyncset.done @!p0 $0x0  }
0x69: {  	[sflag:s0] =	ssyncadd.s32 @!p0 s1  }
0x6a: {  	[bflag:$0x3] =	sbarrier.arrive $0xFFFF  }
0x6b: {  	_ =	shalt  }

// kernel: kernel.4.cloned.1.call-start
scs
__scs_entry_jumppad:
0x0: {  	(pc) =	sbr.rel $0x88, $3  }
0x1: {  	(tag) =	ssettag $0x0;
	lr =	simm.s32 $0x1  }
0x2: {  	[smem:$0x3F9A] =	sst lr;
	_ =	strace $0xD0000000  }
0x3: {  	_ = 	snop  }
0x4: {  	_ = 	snop  }
0x5: {  	_ = 	snop  }
0x6: {  	_ = 	snop  }
0x7: {  	_ = 	snop  }
__scs_overlays_trampoline_lowered:
0x8: {  	[smem:$0x3FA9] =	sst s0  }
0x9: {  	[smem:$0x3FAA] =	sst s1  }
0xa: {  	[smem:$0x3FAB] =	sst s2  }
0xb: {  	[smem:$0x3FAC] =	sst s3  }
0xc: {  	[smem:$0x3FAD] =	sst s4  }
0xd: {  	[smem:$0x3FAE] =	sst s5  }
0xe: {  	[smem:$0x3FAF] =	sst s6  }
0xf: {  	[smem:$0x3FB0] =	sst s7  }
0x10: {  	[smem:$0x3FB1] =	sst s8  }
0x11: {  	[smem:$0x3FB2] =	sst s9;
	s0 =	simm.s32 @!p0 $0x0  }
0x12: {  	s1 =	sld [smem:$0x3F98];
	s0 =	simm.s32 @p0 $0x1  }
0x13: {  	[smem:$0x3FB3] =	sst s0;
	s0 =	simm.s32 @!p1 $0x0  }
0x14: {  	s2 =	sld [smem:$0x3F97];
	s0 =	simm.s32 @p1 $0x1  }
0x15: {  	[smem:$0x3FB4] =	sst s0;
	s0 =	simm.s32 @!p2 $0x0  }
0x16: {  	s3 =	sld [smem:$0x3FDB];
	s0 =	simm.s32 @p2 $0x1  }
0x17: {  	s4 =	simm.s32 $0x1BF5;
	[smem:$0x3FB6] =	sst s0  }
0x18: {  	s0 =	sld [smem:$0x3F99];
	_ =	swait.ge [sflag:s4], $0x0  }
0x19: {  	s7 =	sld [smem:$0x3F9A]  }
0x1a: {  	s8 =	sadd.s32 $0xFFFFE003, lr  }
0x1b: {  	s9 =	sadd.s32 $0xFFFFFEF7, lr;
	s5 =	simm.s32 $0xFFFFFFFF;
	p2 =	slt.u32 s8, $0xFFFFF086  }
0x1c: {  	p1 =	slt.u32 s9, $0xF7A;
	s5 =	simm.s32 @!p2 $0x0  }
0x1d: {  	s5 =	simm.s32 @p1 $0x1;
	p0 =	seq.s32 s7, s2  }
0x1e: {  	s7 =	smul.u32 @!p0 $0xF7A, s2;
	p2 =	seq.s32 @!p0 s5, $0x0  }
0x1f: {  	s9 =	smul.u32 $0xF7A, s1;
	s8 =	simm.s32 @!p0 $0x1BF5;
	p2 =	por !p2, p0  }
0x20: {  	[sflag:s8] =	ssyncset.s32 @!p0 $0xFFFFF086;
	s6 =	sadd.s32 @!p0 s3, s7;
	s7 =	simm.s32 @!p0 $0x108  }
0x21: {  	s3 =	sadd.s32 s3, s9;
	s6 =	sadd.s32 @!p0 $0x88, s6;
	s7 =	simm.s32 @p2 $0x1082  }
0x22: {  	[simem:s7], [sflag:s8] =	dma.local @!p0 [hbm:s6], $0xF7A  }
0x23: {  	s9 =	sor.u32 $0xD0000000, s2;
	s6 =	simm.s32 $0x108;
	_ =	swait.ge @!p0 [sflag:s8], $0x0  }
0x24: {  	s3 =	sadd.s32 $0x88, s3;
	s6 =	simm.s32 @!p1 $0x1082;
	[sflag:s4] =	ssyncset.s32 $0xFFFFF086  }
0x25: {  	[simem:s6], [sflag:s4] =	dma.local [hbm:s3], $0xF7A  }
0x26: {  	[smem:$0x3F9A] =	sst s1;
	(tag) =	ssettag s2;
	_ =	strace s9  }
0x27: {  	s1 =	sld [smem:$0x3FAA]  }
0x28: {  	s2 =	sld [smem:$0x3FAB]  }
0x29: {  	s4 =	sld [smem:$0x3FAD]  }
0x2a: {  	p0 =	seq.s32 s5, $0x0;
	s5 =	sld [smem:$0x3FAE]  }
0x2b: {  	s6 =	sld [smem:$0x3FAF]  }
0x2c: {  	s7 =	sld [smem:$0x3FB0]  }
0x2d: {  	s3 =	simm.s32 $0x108;
	s8 =	sld [smem:$0x3FB1]  }
0x2e: {  	s3 =	simm.s32 @!p0 $0x1082;
	s9 =	sld [smem:$0x3FB2]  }
0x2f: {  	lr =	sadd.s32 s0, s3;
	s0 =	sld [smem:$0x3FA9]  }
0x30: {  	s3 =	sld [smem:$0x3FAC]  }
0x31: {  	[smem:$0x3FB5] =	sst s10  }
0x32: {  	s10 =	sld [smem:$0x3FB3];
	_ =	sdelay $0x3  }
0x33: {  	p0 =	seq.s32 s10, $0x1;
	s10 =	sld [smem:$0x3FB5];
	_ =	sdelay $0x3  }
0x34: {  	[smem:$0x3FB5] =	sst s10  }
0x35: {  	s10 =	sld [smem:$0x3FB4];
	_ =	sdelay $0x3  }
0x36: {  	p1 =	seq.s32 s10, $0x1;
	s10 =	sld [smem:$0x3FB5];
	_ =	sdelay $0x3  }
0x37: {  	[smem:$0x3FB5] =	sst s10  }
0x38: {  	s10 =	sld [smem:$0x3FB6]  }
0x39: {  	_ = 	snop;
	(pc) =	sbr.ind lr, $3  }
0x3a: {  	_ = 	snop  }
0x3b: {  	_ = 	snop  }
0x3c: {  	p2 =	seq.s32 s10, $0x1;
	s10 =	sld [smem:$0x3FB5]  }
0x3d: {  	_ =	shalt  }
0x3e: {  	_ =	shalt  }
0x3f: {  	_ =	shalt  }
0x40: {  	_ =	shalt  }
0x41: {  	_ =	shalt  }
0x42: {  	_ =	shalt  }
0x43: {  	_ =	shalt  }
0x44: {  	_ =	shalt  }
0x45: {  	_ =	shalt  }
0x46: {  	_ =	shalt  }
0x47: {  	_ =	shalt  }
0x48: {  	_ =	shalt  }
0x49: {  	_ =	shalt  }
0x4a: {  	_ =	shalt  }
0x4b: {  	_ =	shalt  }
0x4c: {  	_ =	shalt  }
0x4d: {  	_ =	shalt  }
0x4e: {  	_ =	shalt  }
0x4f: {  	_ =	shalt  }
0x50: {  	_ =	shalt  }
0x51: {  	_ =	shalt  }
0x52: {  	_ =	shalt  }
0x53: {  	_ =	shalt  }
0x54: {  	_ =	shalt  }
0x55: {  	_ =	shalt  }
0x56: {  	_ =	shalt  }
0x57: {  	_ =	shalt  }
0x58: {  	_ =	shalt  }
0x59: {  	_ =	shalt  }
0x5a: {  	_ =	shalt  }
0x5b: {  	_ =	shalt  }
0x5c: {  	_ =	shalt  }
0x5d: {  	_ =	shalt  }
0x5e: {  	_ =	shalt  }
0x5f: {  	_ =	shalt  }
0x60: {  	_ =	shalt  }
0x61: {  	_ =	shalt  }
0x62: {  	_ =	shalt  }
0x63: {  	_ =	shalt  }
0x64: {  	_ =	shalt  }
0x65: {  	_ =	shalt  }
0x66: {  	_ =	shalt  }
0x67: {  	_ =	shalt  }
0x68: {  	_ =	shalt  }
0x69: {  	_ =	shalt  }
0x6a: {  	_ =	shalt  }
0x6b: {  	_ =	shalt  }
0x6c: {  	_ =	shalt  }
0x6d: {  	_ =	shalt  }
0x6e: {  	_ =	shalt  }
0x6f: {  	_ =	shalt  }
0x70: {  	_ =	shalt  }
0x71: {  	_ =	shalt  }
0x72: {  	_ =	shalt  }
0x73: {  	_ =	shalt  }
0x74: {  	_ =	shalt  }
0x75: {  	_ =	shalt  }
0x76: {  	_ =	shalt  }
0x77: {  	_ =	shalt  }
0x78: {  	_ =	shalt  }
0x79: {  	_ =	shalt  }
0x7a: {  	_ =	shalt  }
0x7b: {  	_ =	shalt  }
0x7c: {  	_ =	shalt  }
0x7d: {  	_ =	shalt  }
0x7e: {  	_ =	shalt  }
0x7f: {  	_ =	shalt  }
0x80: {  	_ =	shalt  }
0x81: {  	_ =	shalt  }
0x82: {  	_ =	shalt  }
0x83: {  	_ =	shalt  }
0x84: {  	_ =	shalt  }
0x85: {  	_ =	shalt  }
0x86: {  	_ =	shalt  }
0x87: {  	_ =	shalt  }
.Lfunc_end0:
.L_simem_size_0:
called_computation.1_lowered:
.L_overlay_start_0:
0x88: {  	s2 =	sld [smem:$0x3FD9]  }
0x89: {  	s3 =	sld [smem:$0x3FFE];
	_ =	sdelay $0x1  }
0x8a: {  	s1 =	srdreg.scid  }
0x8b: {  	s0 =	sand.u32 $0x1, s1  }
0x8c: {  	s17 =	sshll.u32 s0, $0xA;
	s2 =	sadd.s32 s3, s2  }
0x8d: {  	s2 =	sadd.s32 s2, s17  }
0x8e: {  	[smem:$0x3FC1] =	sst s2  }
0x8f: {  	_ = 	snop  }
0x90: {  	s2 =	sld [smem:$0x3FD0];
	(tm) =	ssettm $0x1  }
0x91: {  	s18 =	sld [smem:$0x3FFB];
	_ =	sdelay $0x3  }
0x92: {  	_ =	strace s18  }
0x93: {  	s3 =	sld [smem:$0x3FFC];
	_ =	sdelay $0x3  }
0x94: {  	_ =	strace s3  }
0x95: {  	s3 =	sld [smem:$0x3FFD];
	_ =	sdelay $0x3  }
0x96: {  	_ =	strace s3  }
0x97: {  	_ =	strace $0x8FFFFFFF  }
0x98: {  	s19 =	sld [smem:$0x3FDB];
	_ =	sdelay $0x1  }
0x99: {  	s4 =	simm.s32 $_scs_section_size  }
0x9a: {  	s5 =	simm.s32 $_size__tile_overlayer_lowered;
	s6 =	simm.s32 $_tile_overlayer_lowered  }
0x9b: {  	s22 =	simm.s32 $0x1BFF;
	s21 =	sshll.u32 s6, $0x1;
	s3 =	sadd.s32 s4, s19  }
0x9c: {  	s7 =	simm.s32 $0x0;
	s20 =	sshll.u32 s5, $0x1;
	s5 =	sadd.s32 s21, s3  }
0x9d: {  	[timem:s7], [sflag:s22] =	dma.local [hbm:s5], s20  }
0x9e: {  	_ =	swait.ge [sflag:s22], s20  }
0x9f: {  	s4 =	ssub.s32 $0x0, s20;
	[sflag:s22] =	ssyncset.done $0x0  }
0xa0: {  	[sflag:s22] =	ssyncadd.s32 s4;
	_ =	sdelay $0x1  }
0xa1: {  	s23 =	simm.s32 $0x1B8B  }
0xa2: {  	_ =	swait.ge [sflag:s23], $0x1  }
0xa3: {  	[sflag:s23] =	ssyncset.done $0x0  }
0xa4: {  	s25 =	simm.s32 $0x1B8E;
	s24 =	sld [smem:$0x3FFE];
	[sflag:s23] =	ssyncadd.s32 $0xFFFFFFFF  }
0xa5: {  	s26 =	simm.s32 $execute0_lowered;
	[smem:$0x3FD2] =	sst s25  }
0xa6: {  	s5 =	sshll.u32 s26, $0x1;
	_ =	strace $0x80000046;
	[dreg:$0x1] =	wrdreg $0xFFFFFFFF  }
0xa7: {  	s28 =	simm.s32 $_size_execute0_lowered;
	s3 =	sadd.s32 s3, s5;
	[dreg:$0x0] =	wrdreg $0x0  }
0xa8: {  	s5 =	sshll.u32 s28, $0x1;
	[dreg:$0x2] =	wrdreg s3  }
0xa9: {  	[dreg:$0x3] =	wrdreg s5  }
0xaa: {  	[dreg:$0x4] =	wrdreg $0xC0  }
0xab: {  	_ =	task [dreg:s7], $0x5FFFF  }
0xac: {  	[dreg:$0x1] =	wrdreg $0xFFFFFFFF  }
0xad: {  	[dreg:$0x0] =	wrdreg $0x60  }
0xae: {  	[dreg:$0x2] =	wrdreg s2  }
0xaf: {  	[dreg:$0x3] =	wrdreg s24  }
0xb0: {  	[dreg:$0x4] =	wrdreg $0x28800  }
0xb1: {  	[dreg:$0x5] =	wrdreg $0x9  }
0xb2: {  	_ =	task.clear_ibuf [dreg:s7], $0x6FFFF;
	_ =	strace $0x90000046  }
0xb3: {  	s29 =	simm.s32 $0x9;
	_ =	strace $0x80000048  }
0xb4: {  	_ =	swait.ge [sflag:s29], $0x1  }
0xb5: {  	[sflag:s29] =	ssyncadd.s32 $0xFFFFFFFF  }
0xb6: {  	_ =	strace $0x90000048  }
0xb7: {  	_ =	sfence  }
0xb8: {  	s30 =	sld [smem:$0x0];
	_ =	sdelay $0x2  }
0xb9: {  	s31 =	sshll.u32 s1, $0xD;
	s1 =	sshrl.u32 s1, $0x2  }
0xba: {  	s3 =	sand.u32 $0x4000, s31;
	s1 =	sadd.s32 s1, s30  }
0xbb: {  	s0 =	sor.u32 s3, s0;
	s1 =	sshll.u32 s1, $0x11  }
0xbc: {  	s0 =	sor.u32 s1, s0  }
0xbd: {  	s0 =	sadd.s32 $0x8F2B, s0  }
0xbe: {  	[sflag:s0] =	ssyncadd.remote.s32 $0x1  }
0xbf: {  	_ =	sfence.sel $0xFFFF  }
0xc0: {  	[dreg:$0x0] =	wrdreg $0xFFFFFFFF;
	(pc) =	sbr.abs _section_cstart, $3  }
0xc1: {  	[dreg:$0x1] =	wrdreg $0xFFFFFFFF  }
0xc2: {  	_ =	task.clear_ibuf [dreg:s7], $0x2FFFF;
	_ =	strace $0x9FFFFFFF  }
0xc3: {  	(tm) =	ssettm $0x7FFFFFFF  }
tec
execute0_lowered:
.L_overlay_start_1:
0x0: {  	(tag) =	ssettag $0x1  }
0x1: {  	s4 =	rddreg [dreg:$0x0]  }
0x2: {  	s5 =	rddreg [dreg:$0x1]  }
0x3: {  	s2 =	rddreg [dreg:$0x2]  }
0x4: {  	s0 =	rddreg [dreg:$0x3]  }
0x5: {  	s3 =	simm.s32 $0x0;
	s6 =	srdreg.scid;
	s1 =	stileid.u32  }
0x6: {  	s12 =	simm.s32 $0x1;
	s13 =	simm.s32 $0x2800;
	s14 =	simm.s32 $0x80  }
0x7: {  	s17 =	simm.s32 $0x20;
	s18 =	simm.s32 $0x10;
	s19 =	simm.s32 $0x0  }
0x8: {  	[smem:$0x7FF] =	sst s3;
	s6 =	sand.u32 $0x1, s6;
	s7 =	smul.u32 $0x500, s1  }
0x9: {  	s29 =	smul.u32 $0xA00, s1;
	s15 =	sshll.u32 s1, $0x6;
	_ =	strace $0x80000047  }
0xa: {  	s8 =	sshll.u32 s6, $0x7;
	s9 =	sshll.u32 s6, $0x4;
	s6 =	ssub.s32 $0x2, s6  }
0xb: {  	s15 =	sor.u32 $0x1C01, s15;
	s7 =	sor.u32 s8, s7;
	s28 =	sor.u32 s1, s9  }
0xc: {  	s30 =	sshrl.u32 s6, $0x1;
	s7 =	sshrl.u32 s7, $0x3;
	s8 =	smul.u32 $0x500, s28  }
0xd: {  	s31 =	sshrl.u32 s29, $0x2;
	s11 =	ssub.s32 s6, s30;
	s10 =	sadd.s32 s7, s5  }
0xe: {  	s5 =	sadd.s32 s31, s2;
	s11 =	smax.u32 s11, $0x1;
	s4 =	sadd.s32 s4, s8  }
0xf: {  	s6 =	sadd.s32 $0x80, s5;
	s7 =	sadd.s32 $0x100, s5;
	s8 =	sadd.s32 $0x180, s5  }
0x10: {  	v0 =	vimm.f32 $0.0e+00;
	v1 =	vimm.f32 $1.000000000e+00;
	s9 =	sadd.s32 $0x200, s5;
	s10 =	sadd.s32 $0x2200, s10;
	s16 =	sshrl.u32 s5, $0x3  }
.LBB2_1:
0x11: {  	[tilespmem:s3], [sflag:$0x1] =	stream.linear.gather [hbm4b:s4+s3], $0x2780, $0x38;
	[tilespmem:$0x2B00] =	vst v63  }
0x12: {  	_ =	swait.ge [sflag:s12], $0x2780  }
0x13: {  	[sflag:s12] =	ssyncset.done $0x0  }
0x14: {  	[sflag:s12] =	ssyncadd.s32 $0xFFFFD880  }
0x15: {  	[tilespmem:$0x2800] =	vst v0  }
0x16: {  	[tilespmem:$0x2810] =	vst v0  }
0x17: {  	[tilespmem:$0x2820] =	vst v0  }
0x18: {  	[tilespmem:$0x2830] =	vst v0  }
0x19: {  	[tilespmem:$0x2840] =	vst v0  }
0x1a: {  	[tilespmem:$0x2850] =	vst v0  }
0x1b: {  	[tilespmem:$0x2860] =	vst v0  }
0x1c: {  	[tilespmem:$0x2870] =	vst v0  }
0x1d: {  	[spmem:s5] =	stream.linear.scatter [tilespmem:s13], [sflag:$0x1], $0x80, $0x38;
	[tilespmem:$0x2B00] =	vst v63  }
0x1e: {  	_ =	swait.ge [sflag:s12], $0x80  }
0x1f: {  	[sflag:s12] =	ssyncset.done $0x0  }
0x20: {  	[sflag:s12] =	ssyncadd.s32 $0xFFFFFF80  }
0x21: {  	[spmem:s6] =	stream.linear.scatter [tilespmem:s13], [sflag:$0x1], $0x80, $0x38;
	[tilespmem:$0x2B00] =	vst v63  }
0x22: {  	_ =	swait.ge [sflag:s12], $0x80  }
0x23: {  	[sflag:s12] =	ssyncset.done $0x0  }
0x24: {  	[sflag:s12] =	ssyncadd.s32 $0xFFFFFF80  }
0x25: {  	[spmem:s7] =	stream.linear.scatter [tilespmem:s13], [sflag:$0x1], $0x80, $0x38;
	[tilespmem:$0x2B00] =	vst v63  }
0x26: {  	_ =	swait.ge [sflag:s12], $0x80  }
0x27: {  	[sflag:s12] =	ssyncset.done $0x0  }
0x28: {  	[sflag:s12] =	ssyncadd.s32 $0xFFFFFF80  }
0x29: {  	[spmem:s8] =	stream.linear.scatter [tilespmem:s13], [sflag:$0x1], $0x80, $0x38;
	[tilespmem:$0x2B00] =	vst v63  }
0x2a: {  	_ =	swait.ge [sflag:s12], $0x80  }
0x2b: {  	[sflag:s12] =	ssyncset.done $0x0  }
0x2c: {  	[sflag:s12] =	ssyncadd.s32 $0xFFFFFF80  }
0x2d: {  	[spmem:s9] =	stream.linear.scatter [tilespmem:s13], [sflag:$0x1], $0x80, $0x38;
	[tilespmem:$0x2B00] =	vst v63  }
0x2e: {  	_ =	swait.ge [sflag:s12], $0x80  }
0x2f: {  	[sflag:s12] =	ssyncset.done $0x0  }
0x30: {  	[sflag:s12] =	ssyncadd.s32 $0xFFFFFF80  }
0x31: {  	[tilespmem:$0x2800] =	vst v1  }
0x32: {  	[tilespmem:$0x2810] =	vst v1  }
0x33: {  	[tilespmem:$0x2820] =	vst v1  }
0x34: {  	[tilespmem:$0x2830] =	vst v1  }
0x35: {  	[tilespmem:$0x2840] =	vst v1  }
0x36: {  	[tilespmem:$0x2850] =	vst v1  }
0x37: {  	[tilespmem:$0x2860] =	vst v1  }
0x38: {  	[tilespmem:$0x2870] =	vst v1  }
0x39: {  	s20 =	simm.s32 $0x0;
	[bflag:$0x0] =	sbarrier.arrive $0xFFFF  }
0x3a: {  	[spmem:s2] =	stream.indirect.scatter.add.f32 [tilespmem:s13], [sflag:$0x1], $0x1, s20, s14, $0xb8;
	[tilespmem:$0x2B00] =	vst v63  }
0x3b: {  	_ =	swait.ge [sflag:s12], $0x80  }
0x3c: {  	s20 =	simm.s32 $0x200;
	[sflag:s12] =	ssyncset.done $0x0  }
.LBB2_2:
0x3d: {  	s21 =	sshra.s32 s20, $0x2;
	[sflag:s12] =	ssyncadd.s32 $0xFFFFFF80;
	p0 =	sne.s32 s20, $0x9C00  }
0x3e: {  	[spmem:s2] =	stream.indirect.scatter.add.f32 [tilespmem:s13], [sflag:$0x1], $0x1, s21, s14, $0xb8;
	[tilespmem:$0x2B00] =	vst v63  }
.Ltmp0:
0x3f: {  	_ = 	snop;
	(pc) =	sbr.rel @p0 .LBB2_2-.Ltmp0, $4  }
0x40: {  	_ = 	snop  }
0x41: {  	s20 =	sadd.s32 $0x200, s20  }
0x42: {  	_ =	swait.ge [sflag:s12], $0x80  }
0x43: {  	[sflag:s12] =	ssyncset.done $0x0  }
0x44: {  	s19 =	sadd.s32 $0x1, s19  }
0x45: {  	[sflag:s12] =	ssyncadd.s32 $0xFFFFFF80;
	p0 =	sne.s32 s19, s11  }
.Ltmp1:
0x46: {  	[bflag:$0x0] =	sbarrier.arrive $0xFFFF;
	(pc) =	sbr.rel @p0 .LBB2_1-.Ltmp1, $4  }
0x47: {  	[hbm:s10@s17], [sflag:s15] =	dma.strided [spmem:s16@s18], $0x50, s12, $0x10   }
0x48: {  	_ =	swait.ge [sflag:s12], $0x50  }
0x49: {  	[sflag:s12] =	ssyncset.done $0x0  }
0x4a: {  	[sflag:s12] =	ssyncadd.s32 $0xFFFFFFB0  }
0x4b: {  	_ =	sfence.sel $0x180000  }
0x4c: {  	[bflag:$0x0] =	sbarrier.arrive $0xFFFF  }
0x4d: {  	p0 =	sne.s32 s1, $0x0;
	_ =	strace $0x90000047  }
0x4e: {  	s0 =	sadd.s32 @!p0 $0x100000, s0;
	[bflag:$0x2] =	sbarrier.arrive $0xFFFF  }
0x4f: {  	[sflag:s0] =	ssyncadd.tile.s32 @!p0 $0x1;
	_ =	shalt  }
.Lfunc_end2:
_tile_overlayer_lowered:
.L_overlay_start_2:
0x50: {  	(tag) =	ssettag $0x2  }
0x51: {  	s0 =	rddreg [dreg:$0x0];
	s2 =	stileid.u32  }
0x52: {  	s1 =	rddreg [dreg:$0x1];
	p0 =	sne.s32 s2, $0x0  }
0x53: {  	s3 =	rddreg [dreg:$0x2];
	[bflag:$0x3] =	sbarrier.arrive $0xFFFF;
	s2 =	simm.s32 @!p0 $0x1C01  }
0x54: {  	[timem:s3], [sflag:s2] =	dma.local @!p0 [hbm:s0], s1  }
0x55: {  	s0 =	simm.s32 @!p0 $0x1  }
0x56: {  	_ =	swait.ge @!p0 [sflag:s0], s1  }
0x57: {  	s1 =	ssub.s32 @!p0 $0x0, s1;
	[sflag:s0] =	ssyncset.done @!p0 $0x0  }
0x58: {  	[sflag:s0] =	ssyncadd.s32 @!p0 s1  }
0x59: {  	[bflag:$0x3] =	sbarrier.arrive $0xFFFF  }
0x5a: {  	_ =	shalt  }

</sc_bundles>
